<compile_context>
chip_gen: v7x
topology: tpu7x:2x2x1
jax: 0.10.2.dev20260603
libtpu: 0.0.44.dev20260713+nightly
codegen_flags: <defaults>
</compile_context>

<pallas_src>
import functools
import numpy as np
import jax
import jax.numpy as jnp
from jax import lax
from jax.experimental import pallas as pl
from jax.experimental.pallas import tpu as pltpu
from jax.experimental.pallas import tpu_sc as plsc

_EPS = float(np.finfo(np.float32).eps)


def _knn_select(x2_ref, x1t_ref, idx_ref, w_ref, *, n_per_b):
    b = pl.program_id(0)
    x2 = x2_ref[0]
    x1t = x1t_ref[0]
    npts = x2.shape[0]
    n = x1t.shape[1]

    acc = None
    for d in range(3):
        diff = x2[:, d:d + 1] - x1t[d:d + 1, :]
        sq = diff * diff
        acc = sq if acc is None else acc + sq

    inf = jnp.float32(np.inf)
    iota = lax.broadcasted_iota(jnp.int32, (npts, n), 1)
    m1 = jnp.min(acc, axis=1, keepdims=True)
    d2 = jnp.where(acc == m1, inf, acc)
    m2 = jnp.min(d2, axis=1, keepdims=True)
    d3 = jnp.where(d2 == m2, inf, d2)
    m3 = jnp.min(d3, axis=1, keepdims=True)
    base = b * n_per_b
    a1 = jnp.min(jnp.where(acc == m1, iota, n), axis=1, keepdims=True) + base
    a2 = jnp.min(jnp.where(acc == m2, iota, n), axis=1, keepdims=True) + base
    a3 = jnp.min(jnp.where(acc == m3, iota, n), axis=1, keepdims=True) + base
    r1 = 1.0 / (m1 + _EPS)
    r2 = 1.0 / (m2 + _EPS)
    r3 = 1.0 / (m3 + _EPS)
    inv_tot = 1.0 / (r1 + r2 + r3)
    idx_ref[0] = jnp.concatenate([a1, a2, a3], axis=1)
    w_ref[0] = jnp.concatenate(
        [r1 * inv_tot, r2 * inv_tot, r3 * inv_tot], axis=1)


def _make_sc_interp(total_q, d1, q_chunk=16):
    info = plsc.get_sparse_core_info()
    nc, ns, lanes = info.num_cores, info.num_subcores, info.num_lanes
    nw = nc * ns
    nq_w = total_q // nw
    n_chunks = nq_w // q_chunk
    rows = 3 * q_chunk
    mesh = plsc.VectorSubcoreMesh(core_axis_name="c", subcore_axis_name="s")

    @functools.partial(
        pl.kernel, mesh=mesh,
        compiler_params=pltpu.CompilerParams(use_tc_tiling_on_sc=False),
        out_type=jax.ShapeDtypeStruct((total_q, d1), jnp.float32),
        scratch_types=[
            pltpu.VMEM((3 * nq_w,), jnp.int32),
            pltpu.VMEM((3 * nq_w, lanes), jnp.float32),
            pltpu.VMEM((rows, d1), jnp.float32),
            pltpu.VMEM((q_chunk, d1), jnp.float32),
            pltpu.SemaphoreType.DMA,
        ],
    )
    def sc_interp(table_hbm, idx_hbm, w16_hbm, out_hbm,
                  idx_v, w_v, rows_v, out_v, sem):
        wid = lax.axis_index("s") * nc + lax.axis_index("c")
        pltpu.sync_copy(idx_hbm.at[wid], idx_v)
        pltpu.sync_copy(w16_hbm.at[wid], w_v)

        def chunk_body(ci, _):
            cbase = ci * rows
            pltpu.async_copy(
                table_hbm.at[idx_v.at[pl.ds(cbase, rows)]], rows_v, sem
            ).wait()

            def q_body(qi, _):
                w0 = w_v[cbase + qi * 3, :]
                w1 = w_v[cbase + qi * 3 + 1, :]
                w2 = w_v[cbase + qi * 3 + 2, :]
                for j in range(d1 // lanes):
                    sl = pl.ds(j * lanes, lanes)
                    v = (w0 * rows_v[qi * 3, sl]
                         + w1 * rows_v[qi * 3 + 1, sl]
                         + w2 * rows_v[qi * 3 + 2, sl])
                    out_v[qi, sl] = v
                return 0

            lax.fori_loop(0, q_chunk, q_body, 0)
            pltpu.sync_copy(
                out_v,
                out_hbm.at[pl.ds(wid * nq_w + ci * q_chunk, q_chunk)])
            return 0

        lax.fori_loop(0, n_chunks, chunk_body, 0)

    return sc_interp


def _mlp(interp_ref, f2_ref, w0at_ref, w0bt_ref, w1t_ref,
         g0_ref, be0_ref, g1_ref, be1_ref, out_ref,
         y0_scr, y1_scr, s0_scr, ss0_scr, sc1_scr, sh1_scr,
         *, nb, count):
    p = pl.program_id(0)
    npts = f2_ref.shape[1]

    @pl.when(p < nb)
    def _phase_a():
        b = p
        y0 = jnp.dot(interp_ref[...], w0at_ref[...],
                     preferred_element_type=jnp.float32)
        y0 = y0 + jnp.dot(f2_ref[0], w0bt_ref[...],
                          preferred_element_type=jnp.float32)
        y0_scr[pl.ds(b * npts, npts)] = y0

        s = jnp.sum(y0, axis=0, keepdims=True)
        ss = jnp.sum(y0 * y0, axis=0, keepdims=True)

        @pl.when(b == 0)
        def _():
            s0_scr[...] = s
            ss0_scr[...] = ss

        @pl.when(b != 0)
        def _():
            s0_scr[...] += s
            ss0_scr[...] += ss

    @pl.when(p == nb)
    def _phase_b():
        mean = s0_scr[...] * (1.0 / count)
        var = ss0_scr[...] * (1.0 / count) - mean * mean
        inv = lax.rsqrt(var + 1e-5)
        scale = g0_ref[...] * inv
        shift = be0_ref[...] - mean * scale
        x = jnp.maximum(y0_scr[...] * scale + shift, 0.0)
        y1 = jnp.dot(x, w1t_ref[...], preferred_element_type=jnp.float32)
        y1_scr[...] = y1

        s1 = jnp.sum(y1, axis=0, keepdims=True)
        ss1 = jnp.sum(y1 * y1, axis=0, keepdims=True)
        mean1 = s1 * (1.0 / count)
        var1 = ss1 * (1.0 / count) - mean1 * mean1
        inv1 = lax.rsqrt(var1 + 1e-5)
        sc1_scr[...] = g1_ref[...] * inv1
        sh1_scr[...] = be1_ref[...] - mean1 * (g1_ref[...] * inv1)

    @pl.when(p > nb)
    def _phase_c():
        b = p - nb - 1
        out_ref[0] = jnp.maximum(
            y1_scr[pl.ds(b * npts, npts)] * sc1_scr[...] + sh1_scr[...], 0.0)


def kernel(xyz1, xyz2, features1, features2, W0, b0, g0, beta0,
           W1, b1, g1, beta1):
    B, N, _ = xyz1.shape
    Np = xyz2.shape[1]
    D1 = features1.shape[2]
    D2 = features2.shape[2]
    C0 = W0.shape[0]
    C1 = W1.shape[0]
    count = float(B * Np)
    total_q = B * Np

    x1t = xyz1.transpose(0, 2, 1)
    w0at = W0[:, :D1].T
    w0bt = W0[:, D1:].T
    w1t = W1.T
    g0r = g0.reshape(1, C0)
    beta0r = beta0.reshape(1, C0)
    g1r = g1.reshape(1, C1)
    beta1r = beta1.reshape(1, C1)

    idx, wn = pl.pallas_call(
        functools.partial(_knn_select, n_per_b=N),
        grid=(B,),
        in_specs=[
            pl.BlockSpec((1, Np, 3), lambda b: (b, 0, 0)),
            pl.BlockSpec((1, 3, N), lambda b: (b, 0, 0)),
        ],
        out_specs=[
            pl.BlockSpec((1, Np, 3), lambda b: (b, 0, 0)),
            pl.BlockSpec((1, Np, 3), lambda b: (b, 0, 0)),
        ],
        out_shape=[
            jax.ShapeDtypeStruct((B, Np, 3), jnp.int32),
            jax.ShapeDtypeStruct((B, Np, 3), jnp.float32),
        ],
        compiler_params=pltpu.CompilerParams(
            dimension_semantics=("arbitrary",)),
    )(xyz2, x1t)

    info = plsc.get_sparse_core_info()
    nw = info.num_cores * info.num_subcores
    lanes = info.num_lanes
    nq_w = total_q // nw
    idx_sc = idx.reshape(nw, nq_w * 3)
    w16 = jnp.broadcast_to(
        wn.reshape(total_q * 3, 1), (total_q * 3, lanes)
    ).reshape(nw, nq_w * 3, lanes)
    f1_flat = features1.reshape(B * N, D1)

    interp = _make_sc_interp(total_q, D1)(f1_flat, idx_sc, w16)

    out = pl.pallas_call(
        functools.partial(_mlp, nb=B, count=count),
        grid=(2 * B + 1,),
        in_specs=[
            pl.BlockSpec((Np, C0), lambda p: (jnp.minimum(p, B - 1), 0)),
            pl.BlockSpec((1, Np, D2), lambda p: (jnp.minimum(p, B - 1), 0, 0)),
            pl.BlockSpec((D1, C0), lambda p: (0, 0)),
            pl.BlockSpec((D2, C0), lambda p: (0, 0)),
            pl.BlockSpec((C0, C1), lambda p: (0, 0)),
            pl.BlockSpec((1, C0), lambda p: (0, 0)),
            pl.BlockSpec((1, C0), lambda p: (0, 0)),
            pl.BlockSpec((1, C1), lambda p: (0, 0)),
            pl.BlockSpec((1, C1), lambda p: (0, 0)),
        ],
        out_specs=pl.BlockSpec(
            (1, Np, C1), lambda p: (jnp.maximum(p - B - 1, 0), 0, 0)),
        out_shape=jax.ShapeDtypeStruct((B, Np, C1), jnp.float32),
        scratch_shapes=[
            pltpu.VMEM((B * Np, C0), jnp.float32),
            pltpu.VMEM((B * Np, C1), jnp.float32),
            pltpu.VMEM((1, C0), jnp.float32),
            pltpu.VMEM((1, C0), jnp.float32),
            pltpu.VMEM((1, C1), jnp.float32),
            pltpu.VMEM((1, C1), jnp.float32),
        ],
        compiler_params=pltpu.CompilerParams(
            dimension_semantics=("arbitrary",)),
    )(interp, features2, w0at, w0bt, w1t, g0r, beta0r, g1r, beta1r)

    return out

# --- scband reference (transcript-rebuilt; emitter-appended) ---
"""Pipeline reference for scband-feature-propagation-2997887173052 (READ-ONLY COPY).

The authoritative reference and input builder live on the scoring server;
editing this copy changes nothing except your own understanding.
"""

import jax, jax.numpy as jnp
import numpy as np

K = 3
EPS = float(np.finfo(np.float32).eps)


def setup_inputs(seed: int = 0) -> dict:
    key = jax.random.key(seed)
    ks = jax.random.split(key, 8)
    B, N, Np, D1, D2 = 8, 512, 2048, 256, 128
    xyz1 = jax.random.uniform(ks[0], (B, N, 3), dtype=jnp.float32)
    xyz2 = jax.random.uniform(ks[1], (B, Np, 3), dtype=jnp.float32)
    features1 = jax.random.normal(ks[2], (B, N, D1), dtype=jnp.float32)
    features2 = jax.random.normal(ks[3], (B, Np, D2), dtype=jnp.float32)
    W0 = jax.random.normal(ks[4], (256, D1 + D2), dtype=jnp.float32) * 0.05
    b0 = jnp.zeros((256,), jnp.float32)
    g0 = jnp.ones((256,), jnp.float32)
    beta0 = jnp.zeros((256,), jnp.float32)
    W1 = jax.random.normal(ks[5], (128, 256), dtype=jnp.float32) * 0.05
    b1 = jnp.zeros((128,), jnp.float32)
    g1 = jnp.ones((128,), jnp.float32)
    beta1 = jnp.zeros((128,), jnp.float32)
    return {"xyz1": xyz1, "xyz2": xyz2, "features1": features1, "features2": features2,
            "W0": W0, "b0": b0, "g0": g0, "beta0": beta0,
            "W1": W1, "b1": b1, "g1": g1, "beta1": beta1}


def reference(xyz1, xyz2, features1, features2, W0, b0, g0, beta0, W1, b1, g1, beta1):
    # squared distances between every query point (xyz2) and abstracted point (xyz1)
    diff = xyz2[:, :, None, :] - xyz1[:, None, :, :]  # [B, N', N, 3]
    dist = (diff ** 2).sum(axis=-1)                    # [B, N', N]
    dist = 1.0 / (dist + EPS)
    vals, idx = jax.lax.top_k(dist, K)                 # [B, N', K]
    weights = vals / vals.sum(axis=-1, keepdims=True)  # [B, N', K]
    # gather features of k nearest abstracted points per query
    gathered = jax.vmap(lambda f, i: f[i])(features1, idx)  # [B, N', K, D1]
    interp = (gathered * weights[..., None]).sum(axis=-2)   # [B, N', D1]
    feats = jnp.concatenate([interp, features2], axis=-1)   # [B, N', D1+D2]
    x = feats.transpose(0, 2, 1)                             # [B, C, N']
    for W, b, g, be in ((W0, b0, g0, beta0), (W1, b1, g1, beta1)):
        x = jnp.einsum('oc,bcl->bol', W, x) + b[None, :, None]
        mean = x.mean(axis=(0, 2), keepdims=True)
        var = x.var(axis=(0, 2), keepdims=True)
        x = (x - mean) / jnp.sqrt(var + 1e-5) * g[None, :, None] + be[None, :, None]
        x = jax.nn.relu(x)
    return x.transpose(0, 2, 1)

if __name__ == "__main__":
    import jax
    _d = setup_inputs()
    print(jax.jit(kernel)(*tuple(_d.values())))

</pallas_src>

<mosaic_0001>
#map = affine_map<(d0, d1) -> (0, 0)>
#map1 = affine_map<(d0, d1) -> (0, 0, 0)>
module attributes {stable_mosaic.version = 14 : i64} {
  func.func @sc_interp(%arg0: i32, %arg1: i32, %arg2: memref<4096x256xf32, #tpu.memory_space<hbm>>, %arg3: memref<32x1536xi32, #tpu.memory_space<hbm>>, %arg4: memref<32x1536x16xf32, #tpu.memory_space<hbm>>, %arg5: memref<16384x256xf32, #tpu.memory_space<hbm>>, %arg6: memref<1536xi32, #tpu.memory_space<vmem>>, %arg7: memref<1536x16xf32, #tpu.memory_space<vmem>>, %arg8: memref<48x256xf32, #tpu.memory_space<vmem>>, %arg9: memref<16x256xf32, #tpu.memory_space<vmem>>, %arg10: memref<!tpu.dma_semaphore, #tpu.memory_space<semaphore_mem>>) attributes {dimension_semantics = [#tpu.dimension_semantics<core_parallel>, #tpu.dimension_semantics<subcore_parallel>], iteration_bounds = array<i64: 2, 16>, scalar_prefetch = 0 : i64, scratch_operands = 5 : i64, tpu.core_type = #tpu.core_type<sc_vector_subcore>, window_params = [{transform_indices = #map}, {transform_indices = #map}, {transform_indices = #map1}, {transform_indices = #map}]} {
    %mul3A = arith.constant 2 : i32
    %mul3A_0 = arith.muli %arg1, %mul3A : i32
    %add3A = arith.addi %mul3A_0, %arg0 : i32
    "tpu.region"() ({
      %run_scoped3A = tpu.sem_alloc : memref<!tpu.dma_semaphore, #tpu.memory_space<semaphore_mem>>
      %dma_start3A = arith.constant 0 : i32
      %dma_start3A_7 = tpu.memref_slice %arg3[%add3A, %dma_start3A] : memref<32x1536xi32, #tpu.memory_space<hbm>> -> memref<1x1536xi32, #tpu.memory_space<hbm>>
      %dma_start3A_8 = tpu.memref_squeeze %dma_start3A_7 : memref<1x1536xi32, #tpu.memory_space<hbm>> -> memref<1536xi32, #tpu.memory_space<hbm>>
      %dma_start3A_9 = arith.constant 0 : i32
      %dma_start3A_10 = tpu.memref_slice %arg3[%add3A, %dma_start3A_9] : memref<32x1536xi32, #tpu.memory_space<hbm>> -> memref<1x1536xi32, #tpu.memory_space<hbm>>
      %dma_start3A_11 = tpu.memref_squeeze %dma_start3A_10 : memref<1x1536xi32, #tpu.memory_space<hbm>> -> memref<1536xi32, #tpu.memory_space<hbm>>
      tpu.enqueue_dma source(%dma_start3A_11 : memref<1536xi32, #tpu.memory_space<hbm>>) target(%arg6 : memref<1536xi32, #tpu.memory_space<vmem>>) target_semaphore(%run_scoped3A : memref<!tpu.dma_semaphore, #tpu.memory_space<semaphore_mem>>)
      %dma_wait3A = arith.constant 0 : i32
      %dma_wait3A_12 = tpu.memref_slice %arg3[%add3A, %dma_wait3A] : memref<32x1536xi32, #tpu.memory_space<hbm>> -> memref<1x1536xi32, #tpu.memory_space<hbm>>
      %dma_wait3A_13 = tpu.memref_squeeze %dma_wait3A_12 : memref<1x1536xi32, #tpu.memory_space<hbm>> -> memref<1536xi32, #tpu.memory_space<hbm>>
      %dma_wait3A_14 = arith.constant 0 : i32
      %dma_wait3A_15 = tpu.memref_slice %arg3[%add3A, %dma_wait3A_14] : memref<32x1536xi32, #tpu.memory_space<hbm>> -> memref<1x1536xi32, #tpu.memory_space<hbm>>
      %dma_wait3A_16 = tpu.memref_squeeze %dma_wait3A_15 : memref<1x1536xi32, #tpu.memory_space<hbm>> -> memref<1536xi32, #tpu.memory_space<hbm>>
      tpu.wait_dma2 semaphore(%run_scoped3A : memref<!tpu.dma_semaphore, #tpu.memory_space<semaphore_mem>>) src(%dma_wait3A_16 : memref<1536xi32, #tpu.memory_space<hbm>>) dst(%arg6 : memref<1536xi32, #tpu.memory_space<vmem>>)
      tpu.yield
    }) : () -> ()
    "tpu.region"() ({
      %run_scoped3A = tpu.sem_alloc : memref<!tpu.dma_semaphore, #tpu.memory_space<semaphore_mem>>
      %dma_start3A = arith.constant 0 : i32
      %dma_start3A_7 = arith.constant 0 : i32
      %dma_start3A_8 = tpu.memref_slice %arg4[%add3A, %dma_start3A, %dma_start3A_7] : memref<32x1536x16xf32, #tpu.memory_space<hbm>> -> memref<1x1536x16xf32, #tpu.memory_space<hbm>>
      %dma_start3A_9 = tpu.memref_squeeze %dma_start3A_8 : memref<1x1536x16xf32, #tpu.memory_space<hbm>> -> memref<1536x16xf32, #tpu.memory_space<hbm>>
      %dma_start3A_10 = arith.constant 0 : i32
      %dma_start3A_11 = arith.constant 0 : i32
      %dma_start3A_12 = tpu.memref_slice %arg4[%add3A, %dma_start3A_10, %dma_start3A_11] : memref<32x1536x16xf32, #tpu.memory_space<hbm>> -> memref<1x1536x16xf32, #tpu.memory_space<hbm>>
      %dma_start3A_13 = tpu.memref_squeeze %dma_start3A_12 : memref<1x1536x16xf32, #tpu.memory_space<hbm>> -> memref<1536x16xf32, #tpu.memory_space<hbm>>
      tpu.enqueue_dma source(%dma_start3A_13 : memref<1536x16xf32, #tpu.memory_space<hbm>>) target(%arg7 : memref<1536x16xf32, #tpu.memory_space<vmem>>) target_semaphore(%run_scoped3A : memref<!tpu.dma_semaphore, #tpu.memory_space<semaphore_mem>>)
      %dma_wait3A = arith.constant 0 : i32
      %dma_wait3A_14 = arith.constant 0 : i32
      %dma_wait3A_15 = tpu.memref_slice %arg4[%add3A, %dma_wait3A, %dma_wait3A_14] : memref<32x1536x16xf32, #tpu.memory_space<hbm>> -> memref<1x1536x16xf32, #tpu.memory_space<hbm>>
      %dma_wait3A_16 = tpu.memref_squeeze %dma_wait3A_15 : memref<1x1536x16xf32, #tpu.memory_space<hbm>> -> memref<1536x16xf32, #tpu.memory_space<hbm>>
      %dma_wait3A_17 = arith.constant 0 : i32
      %dma_wait3A_18 = arith.constant 0 : i32
      %dma_wait3A_19 = tpu.memref_slice %arg4[%add3A, %dma_wait3A_17, %dma_wait3A_18] : memref<32x1536x16xf32, #tpu.memory_space<hbm>> -> memref<1x1536x16xf32, #tpu.memory_space<hbm>>
      %dma_wait3A_20 = tpu.memref_squeeze %dma_wait3A_19 : memref<1x1536x16xf32, #tpu.memory_space<hbm>> -> memref<1536x16xf32, #tpu.memory_space<hbm>>
      tpu.wait_dma2 semaphore(%run_scoped3A : memref<!tpu.dma_semaphore, #tpu.memory_space<semaphore_mem>>) src(%dma_wait3A_20 : memref<1536x16xf32, #tpu.memory_space<hbm>>) dst(%arg7 : memref<1536x16xf32, #tpu.memory_space<vmem>>)
      tpu.yield
    }) : () -> ()
    %scan3A = arith.constant 0 : i32
    %scan3A_1 = arith.constant 0 : i32
    %scan3A_2 = arith.constant 32 : i32
    %scan3A_3 = arith.addi %scan3A_1, %scan3A_2 : i32
    %scan3A_4 = arith.constant 1 : i32
    %scan3A_5 = scf.for %scan3A_7 = %scan3A_1 to %scan3A_3 step %scan3A_4 iter_args(%scan3A_8 = %scan3A) -> (i32)  : i32 {
      %mul3A_9 = arith.constant 48 : i32
      %mul3A_10 = arith.muli %scan3A_7, %mul3A_9 : i32
      %dma_start3A = tpu.memref_slice %arg6[%mul3A_10] : memref<1536xi32, #tpu.memory_space<vmem>> -> memref<48xi32, #tpu.memory_space<vmem>>
      %dma_start3A_11 = arith.constant 0 : i32
      %dma_start3A_12 = arith.constant 0 : i32
      %dma_start3A_13 = tpu.memref_slice %arg2[%dma_start3A_11, %dma_start3A_12] : memref<4096x256xf32, #tpu.memory_space<hbm>> -> memref<4096x256xf32, #tpu.memory_space<hbm>>
      tpu.enqueue_indirect_dma source(%dma_start3A_13 : memref<4096x256xf32, #tpu.memory_space<hbm>>) target(%arg8 : memref<48x256xf32, #tpu.memory_space<vmem>>) offsets(%dma_start3A : memref<48xi32, #tpu.memory_space<vmem>>) semaphore(%arg10 : memref<!tpu.dma_semaphore, #tpu.memory_space<semaphore_mem>>)
      %dma_wait3A = tpu.memref_slice %arg6[%mul3A_10] : memref<1536xi32, #tpu.memory_space<vmem>> -> memref<48xi32, #tpu.memory_space<vmem>>
      %dma_wait3A_14 = arith.constant 0 : i32
      %dma_wait3A_15 = arith.constant 0 : i32
      %dma_wait3A_16 = tpu.memref_slice %arg2[%dma_wait3A_14, %dma_wait3A_15] : memref<4096x256xf32, #tpu.memory_space<hbm>> -> memref<4096x256xf32, #tpu.memory_space<hbm>>
      tpu.wait_indirect_dma semaphore(%arg10 : memref<!tpu.dma_semaphore, #tpu.memory_space<semaphore_mem>>) src(%dma_wait3A_16 : memref<4096x256xf32, #tpu.memory_space<hbm>>) dst(%arg8 : memref<48x256xf32, #tpu.memory_space<vmem>>)
      %scan3A_17 = arith.constant 0 : i32
      %scan3A_18 = arith.constant 0 : i32
      %scan3A_19 = arith.constant 16 : i32
      %scan3A_20 = arith.addi %scan3A_18, %scan3A_19 : i32
      %scan3A_21 = arith.constant 1 : i32
      %scan3A_22 = scf.for %scan3A_30 = %scan3A_18 to %scan3A_20 step %scan3A_21 iter_args(%scan3A_31 = %scan3A_17) -> (i32)  : i32 {
        %mul3A_32 = arith.constant 3 : i32
        %mul3A_33 = arith.muli %scan3A_30, %mul3A_32 : i32
        %add3A_34 = arith.addi %mul3A_10, %mul3A_33 : i32
        %get3A = arith.index_cast %add3A_34 : i32 to index
        %get3A_35 = arith.constant 0 : index
        %get3A_36 = tpu.vector_load %arg7[%get3A, %get3A_35] {strides = array<i32>} : memref<1536x16xf32, #tpu.memory_space<vmem>>, vector<1x16xf32>,
        %get3A_37 = vector.shape_cast %get3A_36 : vector<1x16xf32> to vector<16xf32>
        %mul3A_38 = arith.constant 3 : i32
        %mul3A_39 = arith.muli %scan3A_30, %mul3A_38 : i32
        %add3A_40 = arith.addi %mul3A_10, %mul3A_39 : i32
        %add3A_41 = arith.constant 1 : i32
        %add3A_42 = arith.addi %add3A_40, %add3A_41 : i32
        %get3A_43 = arith.index_cast %add3A_42 : i32 to index
        %get3A_44 = arith.constant 0 : index
        %get3A_45 = tpu.vector_load %arg7[%get3A_43, %get3A_44] {strides = array<i32>} : memref<1536x16xf32, #tpu.memory_space<vmem>>, vector<1x16xf32>,
        %get3A_46 = vector.shape_cast %get3A_45 : vector<1x16xf32> to vector<16xf32>
        %mul3A_47 = arith.constant 3 : i32
        %mul3A_48 = arith.muli %scan3A_30, %mul3A_47 : i32
        %add3A_49 = arith.addi %mul3A_10, %mul3A_48 : i32
        %add3A_50 = arith.constant 2 : i32
        %add3A_51 = arith.addi %add3A_49, %add3A_50 : i32
        %get3A_52 = arith.index_cast %add3A_51 : i32 to index
        %get3A_53 = arith.constant 0 : index
        %get3A_54 = tpu.vector_load %arg7[%get3A_52, %get3A_53] {strides = array<i32>} : memref<1536x16xf32, #tpu.memory_space<vmem>>, vector<1x16xf32>,
        %get3A_55 = vector.shape_cast %get3A_54 : vector<1x16xf32> to vector<16xf32>
        %mul3A_56 = arith.constant 3 : i32
        %mul3A_57 = arith.muli %scan3A_30, %mul3A_56 : i32
        %get3A_58 = arith.index_cast %mul3A_57 : i32 to index
        %get3A_59 = arith.constant 0 : index
        %get3A_60 = tpu.vector_load %arg8[%get3A_58, %get3A_59] {strides = array<i32>} : memref<48x256xf32, #tpu.memory_space<vmem>>, vector<1x16xf32>,
        %get3A_61 = vector.shape_cast %get3A_60 : vector<1x16xf32> to vector<16xf32>
        %mul3A_62 = arith.mulf %get3A_37, %get3A_61 : vector<16xf32>
        %mul3A_63 = arith.constant 3 : i32
        %mul3A_64 = arith.muli %scan3A_30, %mul3A_63 : i32
        %add3A_65 = arith.constant 1 : i32
        %add3A_66 = arith.addi %mul3A_64, %add3A_65 : i32
        %get3A_67 = arith.index_cast %add3A_66 : i32 to index
        %get3A_68 = arith.constant 0 : index
        %get3A_69 = tpu.vector_load %arg8[%get3A_67, %get3A_68] {strides = array<i32>} : memref<48x256xf32, #tpu.memory_space<vmem>>, vector<1x16xf32>,
        %get3A_70 = vector.shape_cast %get3A_69 : vector<1x16xf32> to vector<16xf32>
        %mul3A_71 = arith.mulf %get3A_46, %get3A_70 : vector<16xf32>
        %add3A_72 = arith.addf %mul3A_62, %mul3A_71 : vector<16xf32>
        %mul3A_73 = arith.constant 3 : i32
        %mul3A_74 = arith.muli %scan3A_30, %mul3A_73 : i32
        %add3A_75 = arith.constant 2 : i32
        %add3A_76 = arith.addi %mul3A_74, %add3A_75 : i32
        %get3A_77 = arith.index_cast %add3A_76 : i32 to index
        %get3A_78 = arith.constant 0 : index
        %get3A_79 = tpu.vector_load %arg8[%get3A_77, %get3A_78] {strides = array<i32>} : memref<48x256xf32, #tpu.memory_space<vmem>>, vector<1x16xf32>,
        %get3A_80 = vector.shape_cast %get3A_79 : vector<1x16xf32> to vector<16xf32>
        %mul3A_81 = arith.mulf %get3A_55, %get3A_80 : vector<16xf32>
        %add3A_82 = arith.addf %add3A_72, %mul3A_81 : vector<16xf32>
        %swap3A = arith.index_cast %scan3A_30 : i32 to index
        %swap3A_83 = arith.constant 0 : index
        %swap3A_84 = tpu.vector_load %arg9[%swap3A, %swap3A_83] {strides = array<i32>} : memref<16x256xf32, #tpu.memory_space<vmem>>, vector<1x16xf32>,
        %swap3A_85 = vector.shape_cast %swap3A_84 : vector<1x16xf32> to vector<16xf32>
        %swap3A_86 = vector.shape_cast %add3A_82 : vector<16xf32> to vector<1x16xf32>
        tpu.vector_store %arg9[%swap3A, %swap3A_83], %swap3A_86 {strides = array<i32>} : memref<16x256xf32, #tpu.memory_space<vmem>>, vector<1x16xf32>,
        %mul3A_87 = arith.constant 3 : i32
        %mul3A_88 = arith.muli %scan3A_30, %mul3A_87 : i32
        %get3A_89 = arith.index_cast %mul3A_88 : i32 to index
        %get3A_90 = arith.constant 16 : index
        %get3A_91 = tpu.vector_load %arg8[%get3A_89, %get3A_90] {strides = array<i32>} : memref<48x256xf32, #tpu.memory_space<vmem>>, vector<1x16xf32>,
        %get3A_92 = vector.shape_cast %get3A_91 : vector<1x16xf32> to vector<16xf32>
        %mul3A_93 = arith.mulf %get3A_37, %get3A_92 : vector<16xf32>
        %mul3A_94 = arith.constant 3 : i32
        %mul3A_95 = arith.muli %scan3A_30, %mul3A_94 : i32
        %add3A_96 = arith.constant 1 : i32
        %add3A_97 = arith.addi %mul3A_95, %add3A_96 : i32
        %get3A_98 = arith.index_cast %add3A_97 : i32 to index
        %get3A_99 = arith.constant 16 : index
        %get3A_100 = tpu.vector_load %arg8[%get3A_98, %get3A_99] {strides = array<i32>} : memref<48x256xf32, #tpu.memory_space<vmem>>, vector<1x16xf32>,
        %get3A_101 = vector.shape_cast %get3A_100 : vector<1x16xf32> to vector<16xf32>
        %mul3A_102 = arith.mulf %get3A_46, %get3A_101 : vector<16xf32>
        %add3A_103 = arith.addf %mul3A_93, %mul3A_102 : vector<16xf32>
        %mul3A_104 = arith.constant 3 : i32
        %mul3A_105 = arith.muli %scan3A_30, %mul3A_104 : i32
        %add3A_106 = arith.constant 2 : i32
        %add3A_107 = arith.addi %mul3A_105, %add3A_106 : i32
        %get3A_108 = arith.index_cast %add3A_107 : i32 to index
        %get3A_109 = arith.constant 16 : index
        %get3A_110 = tpu.vector_load %arg8[%get3A_108, %get3A_109] {strides = array<i32>} : memref<48x256xf32, #tpu.memory_space<vmem>>, vector<1x16xf32>,
        %get3A_111 = vector.shape_cast %get3A_110 : vector<1x16xf32> to vector<16xf32>
        %mul3A_112 = arith.mulf %get3A_55, %get3A_111 : vector<16xf32>
        %add3A_113 = arith.addf %add3A_103, %mul3A_112 : vector<16xf32>
        %swap3A_114 = arith.index_cast %scan3A_30 : i32 to index
        %swap3A_115 = arith.constant 16 : index
        %swap3A_116 = tpu.vector_load %arg9[%swap3A_114, %swap3A_115] {strides = array<i32>} : memref<16x256xf32, #tpu.memory_space<vmem>>, vector<1x16xf32>,
        %swap3A_117 = vector.shape_cast %swap3A_116 : vector<1x16xf32> to vector<16xf32>
        %swap3A_118 = vector.shape_cast %add3A_113 : vector<16xf32> to vector<1x16xf32>
        tpu.vector_store %arg9[%swap3A_114, %swap3A_115], %swap3A_118 {strides = array<i32>} : memref<16x256xf32, #tpu.memory_space<vmem>>, vector<1x16xf32>,
        %mul3A_119 = arith.constant 3 : i32
        %mul3A_120 = arith.muli %scan3A_30, %mul3A_119 : i32
        %get3A_121 = arith.index_cast %mul3A_120 : i32 to index
        %get3A_122 = arith.constant 32 : index
        %get3A_123 = tpu.vector_load %arg8[%get3A_121, %get3A_122] {strides = array<i32>} : memref<48x256xf32, #tpu.memory_space<vmem>>, vector<1x16xf32>,
        %get3A_124 = vector.shape_cast %get3A_123 : vector<1x16xf32> to vector<16xf32>
        %mul3A_125 = arith.mulf %get3A_37, %get3A_124 : vector<16xf32>
        %mul3A_126 = arith.constant 3 : i32
        %mul3A_127 = arith.muli %scan3A_30, %mul3A_126 : i32
        %add3A_128 = arith.constant 1 : i32
        %add3A_129 = arith.addi %mul3A_127, %add3A_128 : i32
        %get3A_130 = arith.index_cast %add3A_129 : i32 to index
        %get3A_131 = arith.constant 32 : index
        %get3A_132 = tpu.vector_load %arg8[%get3A_130, %get3A_131] {strides = array<i32>} : memref<48x256xf32, #tpu.memory_space<vmem>>, vector<1x16xf32>,
        %get3A_133 = vector.shape_cast %get3A_132 : vector<1x16xf32> to vector<16xf32>
        %mul3A_134 = arith.mulf %get3A_46, %get3A_133 : vector<16xf32>
        %add3A_135 = arith.addf %mul3A_125, %mul3A_134 : vector<16xf32>
        %mul3A_136 = arith.constant 3 : i32
        %mul3A_137 = arith.muli %scan3A_30, %mul3A_136 : i32
        %add3A_138 = arith.constant 2 : i32
        %add3A_139 = arith.addi %mul3A_137, %add3A_138 : i32
        %get3A_140 = arith.index_cast %add3A_139 : i32 to index
        %get3A_141 = arith.constant 32 : index
        %get3A_142 = tpu.vector_load %arg8[%get3A_140, %get3A_141] {strides = array<i32>} : memref<48x256xf32, #tpu.memory_space<vmem>>, vector<1x16xf32>,
        %get3A_143 = vector.shape_cast %get3A_142 : vector<1x16xf32> to vector<16xf32>
        %mul3A_144 = arith.mulf %get3A_55, %get3A_143 : vector<16xf32>
        %add3A_145 = arith.addf %add3A_135, %mul3A_144 : vector<16xf32>
        %swap3A_146 = arith.index_cast %scan3A_30 : i32 to index
        %swap3A_147 = arith.constant 32 : index
        %swap3A_148 = tpu.vector_load %arg9[%swap3A_146, %swap3A_147] {strides = array<i32>} : memref<16x256xf32, #tpu.memory_space<vmem>>, vector<1x16xf32>,
        %swap3A_149 = vector.shape_cast %swap3A_148 : vector<1x16xf32> to vector<16xf32>
        %swap3A_150 = vector.shape_cast %add3A_145 : vector<16xf32> to vector<1x16xf32>
        tpu.vector_store %arg9[%swap3A_146, %swap3A_147], %swap3A_150 {strides = array<i32>} : memref<16x256xf32, #tpu.memory_space<vmem>>, vector<1x16xf32>,
        %mul3A_151 = arith.constant 3 : i32
        %mul3A_152 = arith.muli %scan3A_30, %mul3A_151 : i32
        %get3A_153 = arith.index_cast %mul3A_152 : i32 to index
        %get3A_154 = arith.constant 48 : index
        %get3A_155 = tpu.vector_load %arg8[%get3A_153, %get3A_154] {strides = array<i32>} : memref<48x256xf32, #tpu.memory_space<vmem>>, vector<1x16xf32>,
        %get3A_156 = vector.shape_cast %get3A_155 : vector<1x16xf32> to vector<16xf32>
        %mul3A_157 = arith.mulf %get3A_37, %get3A_156 : vector<16xf32>
        %mul3A_158 = arith.constant 3 : i32
        %mul3A_159 = arith.muli %scan3A_30, %mul3A_158 : i32
        %add3A_160 = arith.constant 1 : i32
        %add3A_161 = arith.addi %mul3A_159, %add3A_160 : i32
        %get3A_162 = arith.index_cast %add3A_161 : i32 to index
        %get3A_163 = arith.constant 48 : index
        %get3A_164 = tpu.vector_load %arg8[%get3A_162, %get3A_163] {strides = array<i32>} : memref<48x256xf32, #tpu.memory_space<vmem>>, vector<1x16xf32>,
        %get3A_165 = vector.shape_cast %get3A_164 : vector<1x16xf32> to vector<16xf32>
        %mul3A_166 = arith.mulf %get3A_46, %get3A_165 : vector<16xf32>
        %add3A_167 = arith.addf %mul3A_157, %mul3A_166 : vector<16xf32>
        %mul3A_168 = arith.constant 3 : i32
        %mul3A_169 = arith.muli %scan3A_30, %mul3A_168 : i32
        %add3A_170 = arith.constant 2 : i32
        %add3A_171 = arith.addi %mul3A_169, %add3A_170 : i32
        %get3A_172 = arith.index_cast %add3A_171 : i32 to index
        %get3A_173 = arith.constant 48 : index
        %get3A_174 = tpu.vector_load %arg8[%get3A_172, %get3A_173] {strides = array<i32>} : memref<48x256xf32, #tpu.memory_space<vmem>>, vector<1x16xf32>,
        %get3A_175 = vector.shape_cast %get3A_174 : vector<1x16xf32> to vector<16xf32>
        %mul3A_176 = arith.mulf %get3A_55, %get3A_175 : vector<16xf32>
        %add3A_177 = arith.addf %add3A_167, %mul3A_176 : vector<16xf32>
        %swap3A_178 = arith.index_cast %scan3A_30 : i32 to index
        %swap3A_179 = arith.constant 48 : index
        %swap3A_180 = tpu.vector_load %arg9[%swap3A_178, %swap3A_179] {strides = array<i32>} : memref<16x256xf32, #tpu.memory_space<vmem>>, vector<1x16xf32>,
        %swap3A_181 = vector.shape_cast %swap3A_180 : vector<1x16xf32> to vector<16xf32>
        %swap3A_182 = vector.shape_cast %add3A_177 : vector<16xf32> to vector<1x16xf32>
        tpu.vector_store %arg9[%swap3A_178, %swap3A_179], %swap3A_182 {strides = array<i32>} : memref<16x256xf32, #tpu.memory_space<vmem>>, vector<1x16xf32>,
        %mul3A_183 = arith.constant 3 : i32
        %mul3A_184 = arith.muli %scan3A_30, %mul3A_183 : i32
        %get3A_185 = arith.index_cast %mul3A_184 : i32 to index
        %get3A_186 = arith.constant 64 : index
        %get3A_187 = tpu.vector_load %arg8[%get3A_185, %get3A_186] {strides = array<i32>} : memref<48x256xf32, #tpu.memory_space<vmem>>, vector<1x16xf32>,
        %get3A_188 = vector.shape_cast %get3A_187 : vector<1x16xf32> to vector<16xf32>
        %mul3A_189 = arith.mulf %get3A_37, %get3A_188 : vector<16xf32>
        %mul3A_190 = arith.constant 3 : i32
        %mul3A_191 = arith.muli %scan3A_30, %mul3A_190 : i32
        %add3A_192 = arith.constant 1 : i32
        %add3A_193 = arith.addi %mul3A_191, %add3A_192 : i32
        %get3A_194 = arith.index_cast %add3A_193 : i32 to index
        %get3A_195 = arith.constant 64 : index
        %get3A_196 = tpu.vector_load %arg8[%get3A_194, %get3A_195] {strides = array<i32>} : memref<48x256xf32, #tpu.memory_space<vmem>>, vector<1x16xf32>,
        %get3A_197 = vector.shape_cast %get3A_196 : vector<1x16xf32> to vector<16xf32>
        %mul3A_198 = arith.mulf %get3A_46, %get3A_197 : vector<16xf32>
        %add3A_199 = arith.addf %mul3A_189, %mul3A_198 : vector<16xf32>
        %mul3A_200 = arith.constant 3 : i32
        %mul3A_201 = arith.muli %scan3A_30, %mul3A_200 : i32
        %add3A_202 = arith.constant 2 : i32
        %add3A_203 = arith.addi %mul3A_201, %add3A_202 : i32
        %get3A_204 = arith.index_cast %add3A_203 : i32 to index
        %get3A_205 = arith.constant 64 : index
        %get3A_206 = tpu.vector_load %arg8[%get3A_204, %get3A_205] {strides = array<i32>} : memref<48x256xf32, #tpu.memory_space<vmem>>, vector<1x16xf32>,
        %get3A_207 = vector.shape_cast %get3A_206 : vector<1x16xf32> to vector<16xf32>
        %mul3A_208 = arith.mulf %get3A_55, %get3A_207 : vector<16xf32>
        %add3A_209 = arith.addf %add3A_199, %mul3A_208 : vector<16xf32>
        %swap3A_210 = arith.index_cast %scan3A_30 : i32 to index
        %swap3A_211 = arith.constant 64 : index
        %swap3A_212 = tpu.vector_load %arg9[%swap3A_210, %swap3A_211] {strides = array<i32>} : memref<16x256xf32, #tpu.memory_space<vmem>>, vector<1x16xf32>,
        %swap3A_213 = vector.shape_cast %swap3A_212 : vector<1x16xf32> to vector<16xf32>
        %swap3A_214 = vector.shape_cast %add3A_209 : vector<16xf32> to vector<1x16xf32>
        tpu.vector_store %arg9[%swap3A_210, %swap3A_211], %swap3A_214 {strides = array<i32>} : memref<16x256xf32, #tpu.memory_space<vmem>>, vector<1x16xf32>,
        %mul3A_215 = arith.constant 3 : i32
        %mul3A_216 = arith.muli %scan3A_30, %mul3A_215 : i32
        %get3A_217 = arith.index_cast %mul3A_216 : i32 to index
        %get3A_218 = arith.constant 80 : index
        %get3A_219 = tpu.vector_load %arg8[%get3A_217, %get3A_218] {strides = array<i32>} : memref<48x256xf32, #tpu.memory_space<vmem>>, vector<1x16xf32>,
        %get3A_220 = vector.shape_cast %get3A_219 : vector<1x16xf32> to vector<16xf32>
        %mul3A_221 = arith.mulf %get3A_37, %get3A_220 : vector<16xf32>
        %mul3A_222 = arith.constant 3 : i32
        %mul3A_223 = arith.muli %scan3A_30, %mul3A_222 : i32
        %add3A_224 = arith.constant 1 : i32
        %add3A_225 = arith.addi %mul3A_223, %add3A_224 : i32
        %get3A_226 = arith.index_cast %add3A_225 : i32 to index
        %get3A_227 = arith.constant 80 : index
        %get3A_228 = tpu.vector_load %arg8[%get3A_226, %get3A_227] {strides = array<i32>} : memref<48x256xf32, #tpu.memory_space<vmem>>, vector<1x16xf32>,
        %get3A_229 = vector.shape_cast %get3A_228 : vector<1x16xf32> to vector<16xf32>
        %mul3A_230 = arith.mulf %get3A_46, %get3A_229 : vector<16xf32>
        %add3A_231 = arith.addf %mul3A_221, %mul3A_230 : vector<16xf32>
        %mul3A_232 = arith.constant 3 : i32
        %mul3A_233 = arith.muli %scan3A_30, %mul3A_232 : i32
        %add3A_234 = arith.constant 2 : i32
        %add3A_235 = arith.addi %mul3A_233, %add3A_234 : i32
        %get3A_236 = arith.index_cast %add3A_235 : i32 to index
        %get3A_237 = arith.constant 80 : index
        %get3A_238 = tpu.vector_load %arg8[%get3A_236, %get3A_237] {strides = array<i32>} : memref<48x256xf32, #tpu.memory_space<vmem>>, vector<1x16xf32>,
        %get3A_239 = vector.shape_cast %get3A_238 : vector<1x16xf32> to vector<16xf32>
        %mul3A_240 = arith.mulf %get3A_55, %get3A_239 : vector<16xf32>
        %add3A_241 = arith.addf %add3A_231, %mul3A_240 : vector<16xf32>
        %swap3A_242 = arith.index_cast %scan3A_30 : i32 to index
        %swap3A_243 = arith.constant 80 : index
        %swap3A_244 = tpu.vector_load %arg9[%swap3A_242, %swap3A_243] {strides = array<i32>} : memref<16x256xf32, #tpu.memory_space<vmem>>, vector<1x16xf32>,
        %swap3A_245 = vector.shape_cast %swap3A_244 : vector<1x16xf32> to vector<16xf32>
        %swap3A_246 = vector.shape_cast %add3A_241 : vector<16xf32> to vector<1x16xf32>
        tpu.vector_store %arg9[%swap3A_242, %swap3A_243], %swap3A_246 {strides = array<i32>} : memref<16x256xf32, #tpu.memory_space<vmem>>, vector<1x16xf32>,
        %mul3A_247 = arith.constant 3 : i32
        %mul3A_248 = arith.muli %scan3A_30, %mul3A_247 : i32
        %get3A_249 = arith.index_cast %mul3A_248 : i32 to index
        %get3A_250 = arith.constant 96 : index
        %get3A_251 = tpu.vector_load %arg8[%get3A_249, %get3A_250] {strides = array<i32>} : memref<48x256xf32, #tpu.memory_space<vmem>>, vector<1x16xf32>,
        %get3A_252 = vector.shape_cast %get3A_251 : vector<1x16xf32> to vector<16xf32>
        %mul3A_253 = arith.mulf %get3A_37, %get3A_252 : vector<16xf32>
        %mul3A_254 = arith.constant 3 : i32
        %mul3A_255 = arith.muli %scan3A_30, %mul3A_254 : i32
        %add3A_256 = arith.constant 1 : i32
        %add3A_257 = arith.addi %mul3A_255, %add3A_256 : i32
        %get3A_258 = arith.index_cast %add3A_257 : i32 to index
        %get3A_259 = arith.constant 96 : index
        %get3A_260 = tpu.vector_load %arg8[%get3A_258, %get3A_259] {strides = array<i32>} : memref<48x256xf32, #tpu.memory_space<vmem>>, vector<1x16xf32>,
        %get3A_261 = vector.shape_cast %get3A_260 : vector<1x16xf32> to vector<16xf32>
        %mul3A_262 = arith.mulf %get3A_46, %get3A_261 : vector<16xf32>
        %add3A_263 = arith.addf %mul3A_253, %mul3A_262 : vector<16xf32>
        %mul3A_264 = arith.constant 3 : i32
        %mul3A_265 = arith.muli %scan3A_30, %mul3A_264 : i32
        %add3A_266 = arith.constant 2 : i32
        %add3A_267 = arith.addi %mul3A_265, %add3A_266 : i32
        %get3A_268 = arith.index_cast %add3A_267 : i32 to index
        %get3A_269 = arith.constant 96 : index
        %get3A_270 = tpu.vector_load %arg8[%get3A_268, %get3A_269] {strides = array<i32>} : memref<48x256xf32, #tpu.memory_space<vmem>>, vector<1x16xf32>,
        %get3A_271 = vector.shape_cast %get3A_270 : vector<1x16xf32> to vector<16xf32>
        %mul3A_272 = arith.mulf %get3A_55, %get3A_271 : vector<16xf32>
        %add3A_273 = arith.addf %add3A_263, %mul3A_272 : vector<16xf32>
        %swap3A_274 = arith.index_cast %scan3A_30 : i32 to index
        %swap3A_275 = arith.constant 96 : index
        %swap3A_276 = tpu.vector_load %arg9[%swap3A_274, %swap3A_275] {strides = array<i32>} : memref<16x256xf32, #tpu.memory_space<vmem>>, vector<1x16xf32>,
        %swap3A_277 = vector.shape_cast %swap3A_276 : vector<1x16xf32> to vector<16xf32>
        %swap3A_278 = vector.shape_cast %add3A_273 : vector<16xf32> to vector<1x16xf32>
        tpu.vector_store %arg9[%swap3A_274, %swap3A_275], %swap3A_278 {strides = array<i32>} : memref<16x256xf32, #tpu.memory_space<vmem>>, vector<1x16xf32>,
        %mul3A_279 = arith.constant 3 : i32
        %mul3A_280 = arith.muli %scan3A_30, %mul3A_279 : i32
        %get3A_281 = arith.index_cast %mul3A_280 : i32 to index
        %get3A_282 = arith.constant 112 : index
        %get3A_283 = tpu.vector_load %arg8[%get3A_281, %get3A_282] {strides = array<i32>} : memref<48x256xf32, #tpu.memory_space<vmem>>, vector<1x16xf32>,
        %get3A_284 = vector.shape_cast %get3A_283 : vector<1x16xf32> to vector<16xf32>
        %mul3A_285 = arith.mulf %get3A_37, %get3A_284 : vector<16xf32>
        %mul3A_286 = arith.constant 3 : i32
        %mul3A_287 = arith.muli %scan3A_30, %mul3A_286 : i32
        %add3A_288 = arith.constant 1 : i32
        %add3A_289 = arith.addi %mul3A_287, %add3A_288 : i32
        %get3A_290 = arith.index_cast %add3A_289 : i32 to index
        %get3A_291 = arith.constant 112 : index
        %get3A_292 = tpu.vector_load %arg8[%get3A_290, %get3A_291] {strides = array<i32>} : memref<48x256xf32, #tpu.memory_space<vmem>>, vector<1x16xf32>,
        %get3A_293 = vector.shape_cast %get3A_292 : vector<1x16xf32> to vector<16xf32>
        %mul3A_294 = arith.mulf %get3A_46, %get3A_293 : vector<16xf32>
        %add3A_295 = arith.addf %mul3A_285, %mul3A_294 : vector<16xf32>
        %mul3A_296 = arith.constant 3 : i32
        %mul3A_297 = arith.muli %scan3A_30, %mul3A_296 : i32
        %add3A_298 = arith.constant 2 : i32
        %add3A_299 = arith.addi %mul3A_297, %add3A_298 : i32
        %get3A_300 = arith.index_cast %add3A_299 : i32 to index
        %get3A_301 = arith.constant 112 : index
        %get3A_302 = tpu.vector_load %arg8[%get3A_300, %get3A_301] {strides = array<i32>} : memref<48x256xf32, #tpu.memory_space<vmem>>, vector<1x16xf32>,
        %get3A_303 = vector.shape_cast %get3A_302 : vector<1x16xf32> to vector<16xf32>
        %mul3A_304 = arith.mulf %get3A_55, %get3A_303 : vector<16xf32>
        %add3A_305 = arith.addf %add3A_295, %mul3A_304 : vector<16xf32>
        %swap3A_306 = arith.index_cast %scan3A_30 : i32 to index
        %swap3A_307 = arith.constant 112 : index
        %swap3A_308 = tpu.vector_load %arg9[%swap3A_306, %swap3A_307] {strides = array<i32>} : memref<16x256xf32, #tpu.memory_space<vmem>>, vector<1x16xf32>,
        %swap3A_309 = vector.shape_cast %swap3A_308 : vector<1x16xf32> to vector<16xf32>
        %swap3A_310 = vector.shape_cast %add3A_305 : vector<16xf32> to vector<1x16xf32>
        tpu.vector_store %arg9[%swap3A_306, %swap3A_307], %swap3A_310 {strides = array<i32>} : memref<16x256xf32, #tpu.memory_space<vmem>>, vector<1x16xf32>,
        %mul3A_311 = arith.constant 3 : i32
        %mul3A_312 = arith.muli %scan3A_30, %mul3A_311 : i32
        %get3A_313 = arith.index_cast %mul3A_312 : i32 to index
        %get3A_314 = arith.constant 128 : index
        %get3A_315 = tpu.vector_load %arg8[%get3A_313, %get3A_314] {strides = array<i32>} : memref<48x256xf32, #tpu.memory_space<vmem>>, vector<1x16xf32>,
        %get3A_316 = vector.shape_cast %get3A_315 : vector<1x16xf32> to vector<16xf32>
        %mul3A_317 = arith.mulf %get3A_37, %get3A_316 : vector<16xf32>
        %mul3A_318 = arith.constant 3 : i32
        %mul3A_319 = arith.muli %scan3A_30, %mul3A_318 : i32
        %add3A_320 = arith.constant 1 : i32
        %add3A_321 = arith.addi %mul3A_319, %add3A_320 : i32
        %get3A_322 = arith.index_cast %add3A_321 : i32 to index
        %get3A_323 = arith.constant 128 : index
        %get3A_324 = tpu.vector_load %arg8[%get3A_322, %get3A_323] {strides = array<i32>} : memref<48x256xf32, #tpu.memory_space<vmem>>, vector<1x16xf32>,
        %get3A_325 = vector.shape_cast %get3A_324 : vector<1x16xf32> to vector<16xf32>
        %mul3A_326 = arith.mulf %get3A_46, %get3A_325 : vector<16xf32>
        %add3A_327 = arith.addf %mul3A_317, %mul3A_326 : vector<16xf32>
        %mul3A_328 = arith.constant 3 : i32
        %mul3A_329 = arith.muli %scan3A_30, %mul3A_328 : i32
        %add3A_330 = arith.constant 2 : i32
        %add3A_331 = arith.addi %mul3A_329, %add3A_330 : i32
        %get3A_332 = arith.index_cast %add3A_331 : i32 to index
        %get3A_333 = arith.constant 128 : index
        %get3A_334 = tpu.vector_load %arg8[%get3A_332, %get3A_333] {strides = array<i32>} : memref<48x256xf32, #tpu.memory_space<vmem>>, vector<1x16xf32>,
        %get3A_335 = vector.shape_cast %get3A_334 : vector<1x16xf32> to vector<16xf32>
        %mul3A_336 = arith.mulf %get3A_55, %get3A_335 : vector<16xf32>
        %add3A_337 = arith.addf %add3A_327, %mul3A_336 : vector<16xf32>
        %swap3A_338 = arith.index_cast %scan3A_30 : i32 to index
        %swap3A_339 = arith.constant 128 : index
        %swap3A_340 = tpu.vector_load %arg9[%swap3A_338, %swap3A_339] {strides = array<i32>} : memref<16x256xf32, #tpu.memory_space<vmem>>, vector<1x16xf32>,
        %swap3A_341 = vector.shape_cast %swap3A_340 : vector<1x16xf32> to vector<16xf32>
        %swap3A_342 = vector.shape_cast %add3A_337 : vector<16xf32> to vector<1x16xf32>
        tpu.vector_store %arg9[%swap3A_338, %swap3A_339], %swap3A_342 {strides = array<i32>} : memref<16x256xf32, #tpu.memory_space<vmem>>, vector<1x16xf32>,
        %mul3A_343 = arith.constant 3 : i32
        %mul3A_344 = arith.muli %scan3A_30, %mul3A_343 : i32
        %get3A_345 = arith.index_cast %mul3A_344 : i32 to index
        %get3A_346 = arith.constant 144 : index
        %get3A_347 = tpu.vector_load %arg8[%get3A_345, %get3A_346] {strides = array<i32>} : memref<48x256xf32, #tpu.memory_space<vmem>>, vector<1x16xf32>,
        %get3A_348 = vector.shape_cast %get3A_347 : vector<1x16xf32> to vector<16xf32>
        %mul3A_349 = arith.mulf %get3A_37, %get3A_348 : vector<16xf32>
        %mul3A_350 = arith.constant 3 : i32
        %mul3A_351 = arith.muli %scan3A_30, %mul3A_350 : i32
        %add3A_352 = arith.constant 1 : i32
        %add3A_353 = arith.addi %mul3A_351, %add3A_352 : i32
        %get3A_354 = arith.index_cast %add3A_353 : i32 to index
        %get3A_355 = arith.constant 144 : index
        %get3A_356 = tpu.vector_load %arg8[%get3A_354, %get3A_355] {strides = array<i32>} : memref<48x256xf32, #tpu.memory_space<vmem>>, vector<1x16xf32>,
        %get3A_357 = vector.shape_cast %get3A_356 : vector<1x16xf32> to vector<16xf32>
        %mul3A_358 = arith.mulf %get3A_46, %get3A_357 : vector<16xf32>
        %add3A_359 = arith.addf %mul3A_349, %mul3A_358 : vector<16xf32>
        %mul3A_360 = arith.constant 3 : i32
        %mul3A_361 = arith.muli %scan3A_30, %mul3A_360 : i32
        %add3A_362 = arith.constant 2 : i32
        %add3A_363 = arith.addi %mul3A_361, %add3A_362 : i32
        %get3A_364 = arith.index_cast %add3A_363 : i32 to index
        %get3A_365 = arith.constant 144 : index
        %get3A_366 = tpu.vector_load %arg8[%get3A_364, %get3A_365] {strides = array<i32>} : memref<48x256xf32, #tpu.memory_space<vmem>>, vector<1x16xf32>,
        %get3A_367 = vector.shape_cast %get3A_366 : vector<1x16xf32> to vector<16xf32>
        %mul3A_368 = arith.mulf %get3A_55, %get3A_367 : vector<16xf32>
        %add3A_369 = arith.addf %add3A_359, %mul3A_368 : vector<16xf32>
        %swap3A_370 = arith.index_cast %scan3A_30 : i32 to index
        %swap3A_371 = arith.constant 144 : index
        %swap3A_372 = tpu.vector_load %arg9[%swap3A_370, %swap3A_371] {strides = array<i32>} : memref<16x256xf32, #tpu.memory_space<vmem>>, vector<1x16xf32>,
        %swap3A_373 = vector.shape_cast %swap3A_372 : vector<1x16xf32> to vector<16xf32>
        %swap3A_374 = vector.shape_cast %add3A_369 : vector<16xf32> to vector<1x16xf32>
        tpu.vector_store %arg9[%swap3A_370, %swap3A_371], %swap3A_374 {strides = array<i32>} : memref<16x256xf32, #tpu.memory_space<vmem>>, vector<1x16xf32>,
        %mul3A_375 = arith.constant 3 : i32
        %mul3A_376 = arith.muli %scan3A_30, %mul3A_375 : i32
        %get3A_377 = arith.index_cast %mul3A_376 : i32 to index
        %get3A_378 = arith.constant 160 : index
        %get3A_379 = tpu.vector_load %arg8[%get3A_377, %get3A_378] {strides = array<i32>} : memref<48x256xf32, #tpu.memory_space<vmem>>, vector<1x16xf32>,
        %get3A_380 = vector.shape_cast %get3A_379 : vector<1x16xf32> to vector<16xf32>
        %mul3A_381 = arith.mulf %get3A_37, %get3A_380 : vector<16xf32>
        %mul3A_382 = arith.constant 3 : i32
        %mul3A_383 = arith.muli %scan3A_30, %mul3A_382 : i32
        %add3A_384 = arith.constant 1 : i32
        %add3A_385 = arith.addi %mul3A_383, %add3A_384 : i32
        %get3A_386 = arith.index_cast %add3A_385 : i32 to index
        %get3A_387 = arith.constant 160 : index
        %get3A_388 = tpu.vector_load %arg8[%get3A_386, %get3A_387] {strides = array<i32>} : memref<48x256xf32, #tpu.memory_space<vmem>>, vector<1x16xf32>,
        %get3A_389 = vector.shape_cast %get3A_388 : vector<1x16xf32> to vector<16xf32>
        %mul3A_390 = arith.mulf %get3A_46, %get3A_389 : vector<16xf32>
        %add3A_391 = arith.addf %mul3A_381, %mul3A_390 : vector<16xf32>
        %mul3A_392 = arith.constant 3 : i32
        %mul3A_393 = arith.muli %scan3A_30, %mul3A_392 : i32
        %add3A_394 = arith.constant 2 : i32
        %add3A_395 = arith.addi %mul3A_393, %add3A_394 : i32
        %get3A_396 = arith.index_cast %add3A_395 : i32 to index
        %get3A_397 = arith.constant 160 : index
        %get3A_398 = tpu.vector_load %arg8[%get3A_396, %get3A_397] {strides = array<i32>} : memref<48x256xf32, #tpu.memory_space<vmem>>, vector<1x16xf32>,
        %get3A_399 = vector.shape_cast %get3A_398 : vector<1x16xf32> to vector<16xf32>
        %mul3A_400 = arith.mulf %get3A_55, %get3A_399 : vector<16xf32>
        %add3A_401 = arith.addf %add3A_391, %mul3A_400 : vector<16xf32>
        %swap3A_402 = arith.index_cast %scan3A_30 : i32 to index
        %swap3A_403 = arith.constant 160 : index
        %swap3A_404 = tpu.vector_load %arg9[%swap3A_402, %swap3A_403] {strides = array<i32>} : memref<16x256xf32, #tpu.memory_space<vmem>>, vector<1x16xf32>,
        %swap3A_405 = vector.shape_cast %swap3A_404 : vector<1x16xf32> to vector<16xf32>
        %swap3A_406 = vector.shape_cast %add3A_401 : vector<16xf32> to vector<1x16xf32>
        tpu.vector_store %arg9[%swap3A_402, %swap3A_403], %swap3A_406 {strides = array<i32>} : memref<16x256xf32, #tpu.memory_space<vmem>>, vector<1x16xf32>,
        %mul3A_407 = arith.constant 3 : i32
        %mul3A_408 = arith.muli %scan3A_30, %mul3A_407 : i32
        %get3A_409 = arith.index_cast %mul3A_408 : i32 to index
        %get3A_410 = arith.constant 176 : index
        %get3A_411 = tpu.vector_load %arg8[%get3A_409, %get3A_410] {strides = array<i32>} : memref<48x256xf32, #tpu.memory_space<vmem>>, vector<1x16xf32>,
        %get3A_412 = vector.shape_cast %get3A_411 : vector<1x16xf32> to vector<16xf32>
        %mul3A_413 = arith.mulf %get3A_37, %get3A_412 : vector<16xf32>
        %mul3A_414 = arith.constant 3 : i32
        %mul3A_415 = arith.muli %scan3A_30, %mul3A_414 : i32
        %add3A_416 = arith.constant 1 : i32
        %add3A_417 = arith.addi %mul3A_415, %add3A_416 : i32
        %get3A_418 = arith.index_cast %add3A_417 : i32 to index
        %get3A_419 = arith.constant 176 : index
        %get3A_420 = tpu.vector_load %arg8[%get3A_418, %get3A_419] {strides = array<i32>} : memref<48x256xf32, #tpu.memory_space<vmem>>, vector<1x16xf32>,
        %get3A_421 = vector.shape_cast %get3A_420 : vector<1x16xf32> to vector<16xf32>
        %mul3A_422 = arith.mulf %get3A_46, %get3A_421 : vector<16xf32>
        %add3A_423 = arith.addf %mul3A_413, %mul3A_422 : vector<16xf32>
        %mul3A_424 = arith.constant 3 : i32
        %mul3A_425 = arith.muli %scan3A_30, %mul3A_424 : i32
        %add3A_426 = arith.constant 2 : i32
        %add3A_427 = arith.addi %mul3A_425, %add3A_426 : i32
        %get3A_428 = arith.index_cast %add3A_427 : i32 to index
        %get3A_429 = arith.constant 176 : index
        %get3A_430 = tpu.vector_load %arg8[%get3A_428, %get3A_429] {strides = array<i32>} : memref<48x256xf32, #tpu.memory_space<vmem>>, vector<1x16xf32>,
        %get3A_431 = vector.shape_cast %get3A_430 : vector<1x16xf32> to vector<16xf32>
        %mul3A_432 = arith.mulf %get3A_55, %get3A_431 : vector<16xf32>
        %add3A_433 = arith.addf %add3A_423, %mul3A_432 : vector<16xf32>
        %swap3A_434 = arith.index_cast %scan3A_30 : i32 to index
        %swap3A_435 = arith.constant 176 : index
        %swap3A_436 = tpu.vector_load %arg9[%swap3A_434, %swap3A_435] {strides = array<i32>} : memref<16x256xf32, #tpu.memory_space<vmem>>, vector<1x16xf32>,
        %swap3A_437 = vector.shape_cast %swap3A_436 : vector<1x16xf32> to vector<16xf32>
        %swap3A_438 = vector.shape_cast %add3A_433 : vector<16xf32> to vector<1x16xf32>
        tpu.vector_store %arg9[%swap3A_434, %swap3A_435], %swap3A_438 {strides = array<i32>} : memref<16x256xf32, #tpu.memory_space<vmem>>, vector<1x16xf32>,
        %mul3A_439 = arith.constant 3 : i32
        %mul3A_440 = arith.muli %scan3A_30, %mul3A_439 : i32
        %get3A_441 = arith.index_cast %mul3A_440 : i32 to index
        %get3A_442 = arith.constant 192 : index
        %get3A_443 = tpu.vector_load %arg8[%get3A_441, %get3A_442] {strides = array<i32>} : memref<48x256xf32, #tpu.memory_space<vmem>>, vector<1x16xf32>,
        %get3A_444 = vector.shape_cast %get3A_443 : vector<1x16xf32> to vector<16xf32>
        %mul3A_445 = arith.mulf %get3A_37, %get3A_444 : vector<16xf32>
        %mul3A_446 = arith.constant 3 : i32
        %mul3A_447 = arith.muli %scan3A_30, %mul3A_446 : i32
        %add3A_448 = arith.constant 1 : i32
        %add3A_449 = arith.addi %mul3A_447, %add3A_448 : i32
        %get3A_450 = arith.index_cast %add3A_449 : i32 to index
        %get3A_451 = arith.constant 192 : index
        %get3A_452 = tpu.vector_load %arg8[%get3A_450, %get3A_451] {strides = array<i32>} : memref<48x256xf32, #tpu.memory_space<vmem>>, vector<1x16xf32>,
        %get3A_453 = vector.shape_cast %get3A_452 : vector<1x16xf32> to vector<16xf32>
        %mul3A_454 = arith.mulf %get3A_46, %get3A_453 : vector<16xf32>
        %add3A_455 = arith.addf %mul3A_445, %mul3A_454 : vector<16xf32>
        %mul3A_456 = arith.constant 3 : i32
        %mul3A_457 = arith.muli %scan3A_30, %mul3A_456 : i32
        %add3A_458 = arith.constant 2 : i32
        %add3A_459 = arith.addi %mul3A_457, %add3A_458 : i32
        %get3A_460 = arith.index_cast %add3A_459 : i32 to index
        %get3A_461 = arith.constant 192 : index
        %get3A_462 = tpu.vector_load %arg8[%get3A_460, %get3A_461] {strides = array<i32>} : memref<48x256xf32, #tpu.memory_space<vmem>>, vector<1x16xf32>,
        %get3A_463 = vector.shape_cast %get3A_462 : vector<1x16xf32> to vector<16xf32>
        %mul3A_464 = arith.mulf %get3A_55, %get3A_463 : vector<16xf32>
        %add3A_465 = arith.addf %add3A_455, %mul3A_464 : vector<16xf32>
        %swap3A_466 = arith.index_cast %scan3A_30 : i32 to index
        %swap3A_467 = arith.constant 192 : index
        %swap3A_468 = tpu.vector_load %arg9[%swap3A_466, %swap3A_467] {strides = array<i32>} : memref<16x256xf32, #tpu.memory_space<vmem>>, vector<1x16xf32>,
        %swap3A_469 = vector.shape_cast %swap3A_468 : vector<1x16xf32> to vector<16xf32>
        %swap3A_470 = vector.shape_cast %add3A_465 : vector<16xf32> to vector<1x16xf32>
        tpu.vector_store %arg9[%swap3A_466, %swap3A_467], %swap3A_470 {strides = array<i32>} : memref<16x256xf32, #tpu.memory_space<vmem>>, vector<1x16xf32>,
        %mul3A_471 = arith.constant 3 : i32
        %mul3A_472 = arith.muli %scan3A_30, %mul3A_471 : i32
        %get3A_473 = arith.index_cast %mul3A_472 : i32 to index
        %get3A_474 = arith.constant 208 : index
        %get3A_475 = tpu.vector_load %arg8[%get3A_473, %get3A_474] {strides = array<i32>} : memref<48x256xf32, #tpu.memory_space<vmem>>, vector<1x16xf32>,
        %get3A_476 = vector.shape_cast %get3A_475 : vector<1x16xf32> to vector<16xf32>
        %mul3A_477 = arith.mulf %get3A_37, %get3A_476 : vector<16xf32>
        %mul3A_478 = arith.constant 3 : i32
        %mul3A_479 = arith.muli %scan3A_30, %mul3A_478 : i32
        %add3A_480 = arith.constant 1 : i32
        %add3A_481 = arith.addi %mul3A_479, %add3A_480 : i32
        %get3A_482 = arith.index_cast %add3A_481 : i32 to index
        %get3A_483 = arith.constant 208 : index
        %get3A_484 = tpu.vector_load %arg8[%get3A_482, %get3A_483] {strides = array<i32>} : memref<48x256xf32, #tpu.memory_space<vmem>>, vector<1x16xf32>,
        %get3A_485 = vector.shape_cast %get3A_484 : vector<1x16xf32> to vector<16xf32>
        %mul3A_486 = arith.mulf %get3A_46, %get3A_485 : vector<16xf32>
        %add3A_487 = arith.addf %mul3A_477, %mul3A_486 : vector<16xf32>
        %mul3A_488 = arith.constant 3 : i32
        %mul3A_489 = arith.muli %scan3A_30, %mul3A_488 : i32
        %add3A_490 = arith.constant 2 : i32
        %add3A_491 = arith.addi %mul3A_489, %add3A_490 : i32
        %get3A_492 = arith.index_cast %add3A_491 : i32 to index
        %get3A_493 = arith.constant 208 : index
        %get3A_494 = tpu.vector_load %arg8[%get3A_492, %get3A_493] {strides = array<i32>} : memref<48x256xf32, #tpu.memory_space<vmem>>, vector<1x16xf32>,
        %get3A_495 = vector.shape_cast %get3A_494 : vector<1x16xf32> to vector<16xf32>
        %mul3A_496 = arith.mulf %get3A_55, %get3A_495 : vector<16xf32>
        %add3A_497 = arith.addf %add3A_487, %mul3A_496 : vector<16xf32>
        %swap3A_498 = arith.index_cast %scan3A_30 : i32 to index
        %swap3A_499 = arith.constant 208 : index
        %swap3A_500 = tpu.vector_load %arg9[%swap3A_498, %swap3A_499] {strides = array<i32>} : memref<16x256xf32, #tpu.memory_space<vmem>>, vector<1x16xf32>,
        %swap3A_501 = vector.shape_cast %swap3A_500 : vector<1x16xf32> to vector<16xf32>
        %swap3A_502 = vector.shape_cast %add3A_497 : vector<16xf32> to vector<1x16xf32>
        tpu.vector_store %arg9[%swap3A_498, %swap3A_499], %swap3A_502 {strides = array<i32>} : memref<16x256xf32, #tpu.memory_space<vmem>>, vector<1x16xf32>,
        %mul3A_503 = arith.constant 3 : i32
        %mul3A_504 = arith.muli %scan3A_30, %mul3A_503 : i32
        %get3A_505 = arith.index_cast %mul3A_504 : i32 to index
        %get3A_506 = arith.constant 224 : index
        %get3A_507 = tpu.vector_load %arg8[%get3A_505, %get3A_506] {strides = array<i32>} : memref<48x256xf32, #tpu.memory_space<vmem>>, vector<1x16xf32>,
        %get3A_508 = vector.shape_cast %get3A_507 : vector<1x16xf32> to vector<16xf32>
        %mul3A_509 = arith.mulf %get3A_37, %get3A_508 : vector<16xf32>
        %mul3A_510 = arith.constant 3 : i32
        %mul3A_511 = arith.muli %scan3A_30, %mul3A_510 : i32
        %add3A_512 = arith.constant 1 : i32
        %add3A_513 = arith.addi %mul3A_511, %add3A_512 : i32
        %get3A_514 = arith.index_cast %add3A_513 : i32 to index
        %get3A_515 = arith.constant 224 : index
        %get3A_516 = tpu.vector_load %arg8[%get3A_514, %get3A_515] {strides = array<i32>} : memref<48x256xf32, #tpu.memory_space<vmem>>, vector<1x16xf32>,
        %get3A_517 = vector.shape_cast %get3A_516 : vector<1x16xf32> to vector<16xf32>
        %mul3A_518 = arith.mulf %get3A_46, %get3A_517 : vector<16xf32>
        %add3A_519 = arith.addf %mul3A_509, %mul3A_518 : vector<16xf32>
        %mul3A_520 = arith.constant 3 : i32
        %mul3A_521 = arith.muli %scan3A_30, %mul3A_520 : i32
        %add3A_522 = arith.constant 2 : i32
        %add3A_523 = arith.addi %mul3A_521, %add3A_522 : i32
        %get3A_524 = arith.index_cast %add3A_523 : i32 to index
        %get3A_525 = arith.constant 224 : index
        %get3A_526 = tpu.vector_load %arg8[%get3A_524, %get3A_525] {strides = array<i32>} : memref<48x256xf32, #tpu.memory_space<vmem>>, vector<1x16xf32>,
        %get3A_527 = vector.shape_cast %get3A_526 : vector<1x16xf32> to vector<16xf32>
        %mul3A_528 = arith.mulf %get3A_55, %get3A_527 : vector<16xf32>
        %add3A_529 = arith.addf %add3A_519, %mul3A_528 : vector<16xf32>
        %swap3A_530 = arith.index_cast %scan3A_30 : i32 to index
        %swap3A_531 = arith.constant 224 : index
        %swap3A_532 = tpu.vector_load %arg9[%swap3A_530, %swap3A_531] {strides = array<i32>} : memref<16x256xf32, #tpu.memory_space<vmem>>, vector<1x16xf32>,
        %swap3A_533 = vector.shape_cast %swap3A_532 : vector<1x16xf32> to vector<16xf32>
        %swap3A_534 = vector.shape_cast %add3A_529 : vector<16xf32> to vector<1x16xf32>
        tpu.vector_store %arg9[%swap3A_530, %swap3A_531], %swap3A_534 {strides = array<i32>} : memref<16x256xf32, #tpu.memory_space<vmem>>, vector<1x16xf32>,
        %mul3A_535 = arith.constant 3 : i32
        %mul3A_536 = arith.muli %scan3A_30, %mul3A_535 : i32
        %get3A_537 = arith.index_cast %mul3A_536 : i32 to index
        %get3A_538 = arith.constant 240 : index
        %get3A_539 = tpu.vector_load %arg8[%get3A_537, %get3A_538] {strides = array<i32>} : memref<48x256xf32, #tpu.memory_space<vmem>>, vector<1x16xf32>,
        %get3A_540 = vector.shape_cast %get3A_539 : vector<1x16xf32> to vector<16xf32>
        %mul3A_541 = arith.mulf %get3A_37, %get3A_540 : vector<16xf32>
        %mul3A_542 = arith.constant 3 : i32
        %mul3A_543 = arith.muli %scan3A_30, %mul3A_542 : i32
        %add3A_544 = arith.constant 1 : i32
        %add3A_545 = arith.addi %mul3A_543, %add3A_544 : i32
        %get3A_546 = arith.index_cast %add3A_545 : i32 to index
        %get3A_547 = arith.constant 240 : index
        %get3A_548 = tpu.vector_load %arg8[%get3A_546, %get3A_547] {strides = array<i32>} : memref<48x256xf32, #tpu.memory_space<vmem>>, vector<1x16xf32>,
        %get3A_549 = vector.shape_cast %get3A_548 : vector<1x16xf32> to vector<16xf32>
        %mul3A_550 = arith.mulf %get3A_46, %get3A_549 : vector<16xf32>
        %add3A_551 = arith.addf %mul3A_541, %mul3A_550 : vector<16xf32>
        %mul3A_552 = arith.constant 3 : i32
        %mul3A_553 = arith.muli %scan3A_30, %mul3A_552 : i32
        %add3A_554 = arith.constant 2 : i32
        %add3A_555 = arith.addi %mul3A_553, %add3A_554 : i32
        %get3A_556 = arith.index_cast %add3A_555 : i32 to index
        %get3A_557 = arith.constant 240 : index
        %get3A_558 = tpu.vector_load %arg8[%get3A_556, %get3A_557] {strides = array<i32>} : memref<48x256xf32, #tpu.memory_space<vmem>>, vector<1x16xf32>,
        %get3A_559 = vector.shape_cast %get3A_558 : vector<1x16xf32> to vector<16xf32>
        %mul3A_560 = arith.mulf %get3A_55, %get3A_559 : vector<16xf32>
        %add3A_561 = arith.addf %add3A_551, %mul3A_560 : vector<16xf32>
        %swap3A_562 = arith.index_cast %scan3A_30 : i32 to index
        %swap3A_563 = arith.constant 240 : index
        %swap3A_564 = tpu.vector_load %arg9[%swap3A_562, %swap3A_563] {strides = array<i32>} : memref<16x256xf32, #tpu.memory_space<vmem>>, vector<1x16xf32>,
        %swap3A_565 = vector.shape_cast %swap3A_564 : vector<1x16xf32> to vector<16xf32>
        %swap3A_566 = vector.shape_cast %add3A_561 : vector<16xf32> to vector<1x16xf32>
        tpu.vector_store %arg9[%swap3A_562, %swap3A_563], %swap3A_566 {strides = array<i32>} : memref<16x256xf32, #tpu.memory_space<vmem>>, vector<1x16xf32>,
        %scan3A_567 = arith.constant 0 : i32
        scf.yield %scan3A_567 : i32
      }
      %scan3A_23 = arith.constant 16 : i32
      %mul3A_24 = arith.constant 512 : i32
      %mul3A_25 = arith.muli %add3A, %mul3A_24 : i32
      %mul3A_26 = arith.constant 16 : i32
      %mul3A_27 = arith.muli %scan3A_7, %mul3A_26 : i32
      %add3A_28 = arith.addi %mul3A_25, %mul3A_27 : i32
      "tpu.region"() ({
        %run_scoped3A = tpu.sem_alloc : memref<!tpu.dma_semaphore, #tpu.memory_space<semaphore_mem>>
        %dma_start3A_30 = arith.constant 0 : i32
        %dma_start3A_31 = tpu.memref_slice %arg5[%add3A_28, %dma_start3A_30] : memref<16384x256xf32, #tpu.memory_space<hbm>> -> memref<16x256xf32, #tpu.memory_space<hbm>>
        %dma_start3A_32 = arith.constant 0 : i32
        %dma_start3A_33 = tpu.memref_slice %arg5[%add3A_28, %dma_start3A_32] : memref<16384x256xf32, #tpu.memory_space<hbm>> -> memref<16x256xf32, #tpu.memory_space<hbm>>
        tpu.enqueue_dma source(%arg9 : memref<16x256xf32, #tpu.memory_space<vmem>>) target(%dma_start3A_33 : memref<16x256xf32, #tpu.memory_space<hbm>>) target_semaphore(%run_scoped3A : memref<!tpu.dma_semaphore, #tpu.memory_space<semaphore_mem>>)
        %dma_wait3A_34 = arith.constant 0 : i32
        %dma_wait3A_35 = tpu.memref_slice %arg5[%add3A_28, %dma_wait3A_34] : memref<16384x256xf32, #tpu.memory_space<hbm>> -> memref<16x256xf32, #tpu.memory_space<hbm>>
        %dma_wait3A_36 = arith.constant 0 : i32
        %dma_wait3A_37 = tpu.memref_slice %arg5[%add3A_28, %dma_wait3A_36] : memref<16384x256xf32, #tpu.memory_space<hbm>> -> memref<16x256xf32, #tpu.memory_space<hbm>>
        tpu.wait_dma2 semaphore(%run_scoped3A : memref<!tpu.dma_semaphore, #tpu.memory_space<semaphore_mem>>) src(%arg9 : memref<16x256xf32, #tpu.memory_space<vmem>>) dst(%dma_wait3A_37 : memref<16x256xf32, #tpu.memory_space<hbm>>)
        tpu.yield
      }) : () -> ()
      %scan3A_29 = arith.constant 0 : i32
      scf.yield %scan3A_29 : i32
    }
    %scan3A_6 = arith.constant 32 : i32
    return
  }
}

module attributes {stable_mosaic.version = 14 : i64} {
  func.func @_knn_select(%arg0: i32, %arg1: memref<1x2048x3xf32, #tpu.memory_space<vmem>>, %arg2: memref<1x3x512xf32, #tpu.memory_space<vmem>>, %arg3: memref<1x2048x3xi32, #tpu.memory_space<vmem>>, %arg4: memref<1x2048x3xf32, #tpu.memory_space<vmem>>) attributes {dimension_semantics = [#tpu.dimension_semantics<arbitrary>], iteration_bounds = array<i64: 8>, scalar_prefetch = 0 : i64, scratch_operands = 0 : i64, tpu.core_type = #tpu.core_type<tc>, window_params = [{transform_indices = @transform_0, window_bounds = array<i64: 1, 2048, 3>}, {transform_indices = @transform_1, window_bounds = array<i64: 1, 3, 512>}, {transform_indices = @transform_2, window_bounds = array<i64: 1, 2048, 3>}, {transform_indices = @transform_3, window_bounds = array<i64: 1, 2048, 3>}]} {
    %get3A = arith.constant 0 : index
    %get3A_0 = arith.constant 0 : index
    %get3A_1 = arith.constant 0 : index
    %get3A_2 = vector.load %arg1[%get3A, %get3A_0, %get3A_1] : memref<1x2048x3xf32, #tpu.memory_space<vmem>>, vector<1x2048x3xf32>
    %get3A_3 = vector.shape_cast %get3A_2 : vector<1x2048x3xf32> to vector<2048x3xf32>
    %get3A_4 = arith.constant 0 : index
    %get3A_5 = arith.constant 0 : index
    %get3A_6 = arith.constant 0 : index
    %get3A_7 = vector.load %arg2[%get3A_4, %get3A_5, %get3A_6] : memref<1x3x512xf32, #tpu.memory_space<vmem>>, vector<1x3x512xf32>
    %get3A_8 = vector.shape_cast %get3A_7 : vector<1x3x512xf32> to vector<3x512xf32>
    %slice3A = vector.extract_strided_slice %get3A_3 {offsets = [0, 0], sizes = [2048, 1], strides = [1, 1]} : vector<2048x3xf32> to vector<2048x1xf32>
    %slice3A_9 = vector.extract_strided_slice %get3A_8 {offsets = [0, 0], sizes = [1, 512], strides = [1, 1]} : vector<3x512xf32> to vector<1x512xf32>
    %sub3A = vector.broadcast %slice3A : vector<2048x1xf32> to vector<2048x512xf32>
    %sub3A_10 = vector.broadcast %slice3A_9 : vector<1x512xf32> to vector<2048x512xf32>
    %sub3A_11 = arith.subf %sub3A, %sub3A_10 : vector<2048x512xf32>
    %mul3A = arith.mulf %sub3A_11, %sub3A_11 : vector<2048x512xf32>
    %slice3A_12 = vector.extract_strided_slice %get3A_3 {offsets = [0, 1], sizes = [2048, 1], strides = [1, 1]} : vector<2048x3xf32> to vector<2048x1xf32>
    %slice3A_13 = vector.extract_strided_slice %get3A_8 {offsets = [1, 0], sizes = [1, 512], strides = [1, 1]} : vector<3x512xf32> to vector<1x512xf32>
    %sub3A_14 = vector.broadcast %slice3A_12 : vector<2048x1xf32> to vector<2048x512xf32>
    %sub3A_15 = vector.broadcast %slice3A_13 : vector<1x512xf32> to vector<2048x512xf32>
    %sub3A_16 = arith.subf %sub3A_14, %sub3A_15 : vector<2048x512xf32>
    %mul3A_17 = arith.mulf %sub3A_16, %sub3A_16 : vector<2048x512xf32>
    %add3A = arith.addf %mul3A, %mul3A_17 : vector<2048x512xf32>
    %slice3A_18 = vector.extract_strided_slice %get3A_3 {offsets = [0, 2], sizes = [2048, 1], strides = [1, 1]} : vector<2048x3xf32> to vector<2048x1xf32>
    %slice3A_19 = vector.extract_strided_slice %get3A_8 {offsets = [2, 0], sizes = [1, 512], strides = [1, 1]} : vector<3x512xf32> to vector<1x512xf32>
    %sub3A_20 = vector.broadcast %slice3A_18 : vector<2048x1xf32> to vector<2048x512xf32>
    %sub3A_21 = vector.broadcast %slice3A_19 : vector<1x512xf32> to vector<2048x512xf32>
    %sub3A_22 = arith.subf %sub3A_20, %sub3A_21 : vector<2048x512xf32>
    %mul3A_23 = arith.mulf %sub3A_22, %sub3A_22 : vector<2048x512xf32>
    %add3A_24 = arith.addf %add3A, %mul3A_23 : vector<2048x512xf32>
    %iota3A = tpu.iota {dimensions = array<i32: 1>} : vector<2048x512xi32>
    %reduce_min3A = arith.constant dense<0x7F800000> : vector<2048xf32>
    %reduce_min3A_25 = vector.multi_reduction <minimumf>, %add3A_24, %reduce_min3A [1] : vector<2048x512xf32> to vector<2048xf32>
    %broadcast_in_dim3A = vector.shape_cast %reduce_min3A_25 : vector<2048xf32> to vector<2048x1xf32>
    %eq3A = vector.broadcast %broadcast_in_dim3A : vector<2048x1xf32> to vector<2048x512xf32>
    %eq3A_26 = arith.cmpf oeq, %add3A_24, %eq3A : vector<2048x512xf32>
    %jit3A = arith.constant 0x7F800000 : f32
    %broadcast_in_dim3A_27 = vector.broadcast %jit3A : f32 to vector<2048x512xf32>
    %select_n3A = arith.select %eq3A_26, %broadcast_in_dim3A_27, %add3A_24 : vector<2048x512xi1>, vector<2048x512xf32>
    %reduce_min3A_28 = arith.constant dense<0x7F800000> : vector<2048xf32>
    %reduce_min3A_29 = vector.multi_reduction <minimumf>, %select_n3A, %reduce_min3A_28 [1] : vector<2048x512xf32> to vector<2048xf32>
    %broadcast_in_dim3A_30 = vector.shape_cast %reduce_min3A_29 : vector<2048xf32> to vector<2048x1xf32>
    %eq3A_31 = vector.broadcast %broadcast_in_dim3A_30 : vector<2048x1xf32> to vector<2048x512xf32>
    %eq3A_32 = arith.cmpf oeq, %select_n3A, %eq3A_31 : vector<2048x512xf32>
    %jit3A_33 = arith.constant 0x7F800000 : f32
    %broadcast_in_dim3A_34 = vector.broadcast %jit3A_33 : f32 to vector<2048x512xf32>
    %select_n3A_35 = arith.select %eq3A_32, %broadcast_in_dim3A_34, %select_n3A : vector<2048x512xi1>, vector<2048x512xf32>
    %reduce_min3A_36 = arith.constant dense<0x7F800000> : vector<2048xf32>
    %reduce_min3A_37 = vector.multi_reduction <minimumf>, %select_n3A_35, %reduce_min3A_36 [1] : vector<2048x512xf32> to vector<2048xf32>
    %broadcast_in_dim3A_38 = vector.shape_cast %reduce_min3A_37 : vector<2048xf32> to vector<2048x1xf32>
    %mul3A_39 = arith.constant 512 : i32
    %mul3A_40 = arith.muli %arg0, %mul3A_39 : i32
    %eq3A_41 = vector.broadcast %broadcast_in_dim3A : vector<2048x1xf32> to vector<2048x512xf32>
    %eq3A_42 = arith.cmpf oeq, %add3A_24, %eq3A_41 : vector<2048x512xf32>
    %jit3A_43 = arith.constant 512 : i32
    %broadcast_in_dim3A_44 = vector.broadcast %jit3A_43 : i32 to vector<2048x512xi32>
    %select_n3A_45 = arith.select %eq3A_42, %iota3A, %broadcast_in_dim3A_44 : vector<2048x512xi1>, vector<2048x512xi32>
    %reduce_min3A_46 = arith.constant dense<2147483647> : vector<2048xi32>
    %reduce_min3A_47 = vector.multi_reduction <minsi>, %select_n3A_45, %reduce_min3A_46 [1] : vector<2048x512xi32> to vector<2048xi32>
    %broadcast_in_dim3A_48 = vector.shape_cast %reduce_min3A_47 : vector<2048xi32> to vector<2048x1xi32>
    %add3A_49 = vector.broadcast %mul3A_40 : i32 to vector<2048x1xi32>
    %add3A_50 = arith.addi %broadcast_in_dim3A_48, %add3A_49 : vector<2048x1xi32>
    %eq3A_51 = vector.broadcast %broadcast_in_dim3A_30 : vector<2048x1xf32> to vector<2048x512xf32>
    %eq3A_52 = arith.cmpf oeq, %add3A_24, %eq3A_51 : vector<2048x512xf32>
    %jit3A_53 = arith.constant 512 : i32
    %broadcast_in_dim3A_54 = vector.broadcast %jit3A_53 : i32 to vector<2048x512xi32>
    %select_n3A_55 = arith.select %eq3A_52, %iota3A, %broadcast_in_dim3A_54 : vector<2048x512xi1>, vector<2048x512xi32>
    %reduce_min3A_56 = arith.constant dense<2147483647> : vector<2048xi32>
    %reduce_min3A_57 = vector.multi_reduction <minsi>, %select_n3A_55, %reduce_min3A_56 [1] : vector<2048x512xi32> to vector<2048xi32>
    %broadcast_in_dim3A_58 = vector.shape_cast %reduce_min3A_57 : vector<2048xi32> to vector<2048x1xi32>
    %add3A_59 = vector.broadcast %mul3A_40 : i32 to vector<2048x1xi32>
    %add3A_60 = arith.addi %broadcast_in_dim3A_58, %add3A_59 : vector<2048x1xi32>
    %eq3A_61 = vector.broadcast %broadcast_in_dim3A_38 : vector<2048x1xf32> to vector<2048x512xf32>
    %eq3A_62 = arith.cmpf oeq, %add3A_24, %eq3A_61 : vector<2048x512xf32>
    %jit3A_63 = arith.constant 512 : i32
    %broadcast_in_dim3A_64 = vector.broadcast %jit3A_63 : i32 to vector<2048x512xi32>
    %select_n3A_65 = arith.select %eq3A_62, %iota3A, %broadcast_in_dim3A_64 : vector<2048x512xi1>, vector<2048x512xi32>
    %reduce_min3A_66 = arith.constant dense<2147483647> : vector<2048xi32>
    %reduce_min3A_67 = vector.multi_reduction <minsi>, %select_n3A_65, %reduce_min3A_66 [1] : vector<2048x512xi32> to vector<2048xi32>
    %broadcast_in_dim3A_68 = vector.shape_cast %reduce_min3A_67 : vector<2048xi32> to vector<2048x1xi32>
    %add3A_69 = vector.broadcast %mul3A_40 : i32 to vector<2048x1xi32>
    %add3A_70 = arith.addi %broadcast_in_dim3A_68, %add3A_69 : vector<2048x1xi32>
    %add3A_71 = arith.constant 1.1920929E-7 : f32
    %add3A_72 = vector.broadcast %add3A_71 : f32 to vector<2048x1xf32>
    %add3A_73 = arith.addf %broadcast_in_dim3A, %add3A_72 : vector<2048x1xf32>
    %div3A = arith.constant 1.000000e+00 : f32
    %div3A_74 = vector.broadcast %div3A : f32 to vector<2048x1xf32>
    %div3A_75 = arith.divf %div3A_74, %add3A_73 : vector<2048x1xf32>
    %add3A_76 = arith.constant 1.1920929E-7 : f32
    %add3A_77 = vector.broadcast %add3A_76 : f32 to vector<2048x1xf32>
    %add3A_78 = arith.addf %broadcast_in_dim3A_30, %add3A_77 : vector<2048x1xf32>
    %div3A_79 = arith.constant 1.000000e+00 : f32
    %div3A_80 = vector.broadcast %div3A_79 : f32 to vector<2048x1xf32>
    %div3A_81 = arith.divf %div3A_80, %add3A_78 : vector<2048x1xf32>
    %add3A_82 = arith.constant 1.1920929E-7 : f32
    %add3A_83 = vector.broadcast %add3A_82 : f32 to vector<2048x1xf32>
    %add3A_84 = arith.addf %broadcast_in_dim3A_38, %add3A_83 : vector<2048x1xf32>
    %div3A_85 = arith.constant 1.000000e+00 : f32
    %div3A_86 = vector.broadcast %div3A_85 : f32 to vector<2048x1xf32>
    %div3A_87 = arith.divf %div3A_86, %add3A_84 : vector<2048x1xf32>
    %add3A_88 = arith.addf %div3A_75, %div3A_81 : vector<2048x1xf32>
    %add3A_89 = arith.addf %add3A_88, %div3A_87 : vector<2048x1xf32>
    %div3A_90 = arith.constant 1.000000e+00 : f32
    %div3A_91 = vector.broadcast %div3A_90 : f32 to vector<2048x1xf32>
    %div3A_92 = arith.divf %div3A_91, %add3A_89 : vector<2048x1xf32>
    %concatenate3A = tpu.concatenate %add3A_50, %add3A_60, %add3A_70 in 1 : vector<2048x1xi32>, vector<2048x1xi32>, vector<2048x1xi32> -> vector<2048x3xi32>
    %swap3A = arith.constant 0 : index
    %swap3A_93 = arith.constant 0 : index
    %swap3A_94 = arith.constant 0 : index
    %swap3A_95 = vector.load %arg3[%swap3A, %swap3A_93, %swap3A_94] : memref<1x2048x3xi32, #tpu.memory_space<vmem>>, vector<1x2048x3xi32>
    %swap3A_96 = vector.shape_cast %swap3A_95 : vector<1x2048x3xi32> to vector<2048x3xi32>
    %swap3A_97 = vector.shape_cast %concatenate3A : vector<2048x3xi32> to vector<1x2048x3xi32>
    tpu.vector_store %arg3[%swap3A, %swap3A_93, %swap3A_94], %swap3A_97 {strides = array<i32>} : memref<1x2048x3xi32, #tpu.memory_space<vmem>>, vector<1x2048x3xi32>,
    %mul3A_98 = arith.mulf %div3A_75, %div3A_92 : vector<2048x1xf32>
    %mul3A_99 = arith.mulf %div3A_81, %div3A_92 : vector<2048x1xf32>
    %mul3A_100 = arith.mulf %div3A_87, %div3A_92 : vector<2048x1xf32>
    %concatenate3A_101 = tpu.concatenate %mul3A_98, %mul3A_99, %mul3A_100 in 1 : vector<2048x1xf32>, vector<2048x1xf32>, vector<2048x1xf32> -> vector<2048x3xf32>
    %swap3A_102 = arith.constant 0 : index
    %swap3A_103 = arith.constant 0 : index
    %swap3A_104 = arith.constant 0 : index
    %swap3A_105 = vector.load %arg4[%swap3A_102, %swap3A_103, %swap3A_104] : memref<1x2048x3xf32, #tpu.memory_space<vmem>>, vector<1x2048x3xf32>
    %swap3A_106 = vector.shape_cast %swap3A_105 : vector<1x2048x3xf32> to vector<2048x3xf32>
    %swap3A_107 = vector.shape_cast %concatenate3A_101 : vector<2048x3xf32> to vector<1x2048x3xf32>
    tpu.vector_store %arg4[%swap3A_102, %swap3A_103, %swap3A_104], %swap3A_107 {strides = array<i32>} : memref<1x2048x3xf32, #tpu.memory_space<vmem>>, vector<1x2048x3xf32>,
    return
  }
  func.func @transform_0(%arg0: i32) -> (i32, i32, i32) {
    %c0_i32 = arith.constant 0 : i32
    %c0_i32_0 = arith.constant 0 : i32
    %c0_i32_1 = arith.constant 0 : i32
    return %arg0, %c0_i32, %c0_i32_0 : i32, i32, i32
  }
  func.func @transform_1(%arg0: i32) -> (i32, i32, i32) {
    %c0_i32 = arith.constant 0 : i32
    %c0_i32_0 = arith.constant 0 : i32
    %c0_i32_1 = arith.constant 0 : i32
    return %arg0, %c0_i32, %c0_i32_0 : i32, i32, i32
  }
  func.func @transform_2(%arg0: i32) -> (i32, i32, i32) {
    %c0_i32 = arith.constant 0 : i32
    %c0_i32_0 = arith.constant 0 : i32
    %c0_i32_1 = arith.constant 0 : i32
    return %arg0, %c0_i32, %c0_i32_0 : i32, i32, i32
  }
  func.func @transform_3(%arg0: i32) -> (i32, i32, i32) {
    %c0_i32 = arith.constant 0 : i32
    %c0_i32_0 = arith.constant 0 : i32
    %c0_i32_1 = arith.constant 0 : i32
    return %arg0, %c0_i32, %c0_i32_0 : i32, i32, i32
  }
}

module attributes {stable_mosaic.version = 14 : i64} {
  func.func @_mlp(%arg0: i32, %arg1: memref<2048x256xf32, #tpu.memory_space<vmem>>, %arg2: memref<1x2048x128xf32, #tpu.memory_space<vmem>>, %arg3: memref<256x256xf32, #tpu.memory_space<vmem>>, %arg4: memref<128x256xf32, #tpu.memory_space<vmem>>, %arg5: memref<256x128xf32, #tpu.memory_space<vmem>>, %arg6: memref<1x256xf32, #tpu.memory_space<vmem>>, %arg7: memref<1x256xf32, #tpu.memory_space<vmem>>, %arg8: memref<1x128xf32, #tpu.memory_space<vmem>>, %arg9: memref<1x128xf32, #tpu.memory_space<vmem>>, %arg10: memref<1x2048x128xf32, #tpu.memory_space<vmem>>, %arg11: memref<16384x256xf32, #tpu.memory_space<vmem>>, %arg12: memref<16384x128xf32, #tpu.memory_space<vmem>>, %arg13: memref<1x256xf32, #tpu.memory_space<vmem>>, %arg14: memref<1x256xf32, #tpu.memory_space<vmem>>, %arg15: memref<1x128xf32, #tpu.memory_space<vmem>>, %arg16: memref<1x128xf32, #tpu.memory_space<vmem>>) attributes {dimension_semantics = [#tpu.dimension_semantics<arbitrary>], iteration_bounds = array<i64: 17>, scalar_prefetch = 0 : i64, scratch_operands = 6 : i64, tpu.core_type = #tpu.core_type<tc>, window_params = [{transform_indices = @transform_0, window_bounds = array<i64: 2048, 256>}, {transform_indices = @transform_1, window_bounds = array<i64: 1, 2048, 128>}, {pipeline_mode = #tpu.pipeline_mode<synchronous>, transform_indices = @transform_2, window_bounds = array<i64: 256, 256>}, {pipeline_mode = #tpu.pipeline_mode<synchronous>, transform_indices = @transform_3, window_bounds = array<i64: 128, 256>}, {pipeline_mode = #tpu.pipeline_mode<synchronous>, transform_indices = @transform_4, window_bounds = array<i64: 256, 128>}, {pipeline_mode = #tpu.pipeline_mode<synchronous>, transform_indices = @transform_5, window_bounds = array<i64: 1, 256>}, {pipeline_mode = #tpu.pipeline_mode<synchronous>, transform_indices = @transform_6, window_bounds = array<i64: 1, 256>}, {pipeline_mode = #tpu.pipeline_mode<synchronous>, transform_indices = @transform_7, window_bounds = array<i64: 1, 128>}, {pipeline_mode = #tpu.pipeline_mode<synchronous>, transform_indices = @transform_8, window_bounds = array<i64: 1, 128>}, {transform_indices = @transform_9, window_bounds = array<i64: 1, 2048, 128>}]} {
    %lt3A = arith.constant 8 : i32
    %lt3A_0 = arith.cmpi slt, %arg0, %lt3A : i32
    %convert_element_type3A = arith.extui %lt3A_0 : i1 to i32
    %cond3A = arith.constant 0 : i32
    %cond3A_1 = arith.cmpi ne, %convert_element_type3A, %cond3A : i32
    scf.if %cond3A_1 {
      %get3A = arith.constant 0 : index
      %get3A_10 = arith.constant 0 : index
      %get3A_11 = vector.load %arg1[%get3A, %get3A_10] : memref<2048x256xf32, #tpu.memory_space<vmem>>, vector<2048x256xf32>
      %get3A_12 = arith.constant 0 : index
      %get3A_13 = arith.constant 0 : index
      %get3A_14 = vector.load %arg3[%get3A_12, %get3A_13] : memref<256x256xf32, #tpu.memory_space<vmem>>, vector<256x256xf32>
      %dot_general3A = arith.constant dense<0.000000e+00> : vector<2048x256xf32>
      %dot_general3A_15 = tpu.matmul %get3A_11, %get3A_14, %dot_general3A {dimension_numbers = #tpu.dot_dimension_numbers<[1], [0], [0], [1], [0, 0, 1, 1], [], []>, transpose_lhs_hint = false} : vector<2048x256xf32>, vector<256x256xf32>, vector<2048x256xf32> -> vector<2048x256xf32>
      %get3A_16 = arith.constant 0 : index
      %get3A_17 = arith.constant 0 : index
      %get3A_18 = arith.constant 0 : index
      %get3A_19 = vector.load %arg2[%get3A_16, %get3A_17, %get3A_18] : memref<1x2048x128xf32, #tpu.memory_space<vmem>>, vector<1x2048x128xf32>
      %get3A_20 = vector.shape_cast %get3A_19 : vector<1x2048x128xf32> to vector<2048x128xf32>
      %get3A_21 = arith.constant 0 : index
      %get3A_22 = arith.constant 0 : index
      %get3A_23 = vector.load %arg4[%get3A_21, %get3A_22] : memref<128x256xf32, #tpu.memory_space<vmem>>, vector<128x256xf32>
      %dot_general3A_24 = arith.constant dense<0.000000e+00> : vector<2048x256xf32>
      %dot_general3A_25 = tpu.matmul %get3A_20, %get3A_23, %dot_general3A_24 {dimension_numbers = #tpu.dot_dimension_numbers<[1], [0], [0], [1], [0, 0, 1, 1], [], []>, transpose_lhs_hint = false} : vector<2048x128xf32>, vector<128x256xf32>, vector<2048x256xf32> -> vector<2048x256xf32>
      %add3A = arith.addf %dot_general3A_15, %dot_general3A_25 : vector<2048x256xf32>
      %mul3A = arith.constant 2048 : i32
      %mul3A_26 = arith.muli %arg0, %mul3A : i32
      %swap3A = arith.index_cast %mul3A_26 : i32 to index
      %swap3A_27 = arith.constant 0 : index
      %swap3A_28 = vector.load %arg11[%swap3A, %swap3A_27] : memref<16384x256xf32, #tpu.memory_space<vmem>>, vector<2048x256xf32>
      tpu.vector_store %arg11[%swap3A, %swap3A_27], %add3A {strides = array<i32>} : memref<16384x256xf32, #tpu.memory_space<vmem>>, vector<2048x256xf32>,
      %reduce_sum3A = arith.constant dense<0.000000e+00> : vector<256xf32>
      %reduce_sum3A_29 = vector.multi_reduction <add>, %add3A, %reduce_sum3A [0] : vector<2048x256xf32> to vector<256xf32>
      %broadcast_in_dim3A = vector.shape_cast %reduce_sum3A_29 : vector<256xf32> to vector<1x256xf32>
      %mul3A_30 = arith.mulf %add3A, %add3A : vector<2048x256xf32>
      %reduce_sum3A_31 = arith.constant dense<0.000000e+00> : vector<256xf32>
      %reduce_sum3A_32 = vector.multi_reduction <add>, %mul3A_30, %reduce_sum3A_31 [0] : vector<2048x256xf32> to vector<256xf32>
      %broadcast_in_dim3A_33 = vector.shape_cast %reduce_sum3A_32 : vector<256xf32> to vector<1x256xf32>
      %eq3A_34 = arith.constant 0 : i32
      %eq3A_35 = arith.cmpi eq, %arg0, %eq3A_34 : i32
      %convert_element_type3A_36 = arith.extui %eq3A_35 : i1 to i32
      %cond3A_37 = arith.constant 0 : i32
      %cond3A_38 = arith.cmpi ne, %convert_element_type3A_36, %cond3A_37 : i32
      scf.if %cond3A_38 {
        %swap3A_43 = arith.constant 0 : index
        %swap3A_44 = arith.constant 0 : index
        %swap3A_45 = vector.load %arg13[%swap3A_43, %swap3A_44] : memref<1x256xf32, #tpu.memory_space<vmem>>, vector<1x256xf32>
        tpu.vector_store %arg13[%swap3A_43, %swap3A_44], %broadcast_in_dim3A {strides = array<i32>} : memref<1x256xf32, #tpu.memory_space<vmem>>, vector<1x256xf32>,
        %swap3A_46 = arith.constant 0 : index
        %swap3A_47 = arith.constant 0 : index
        %swap3A_48 = vector.load %arg14[%swap3A_46, %swap3A_47] : memref<1x256xf32, #tpu.memory_space<vmem>>, vector<1x256xf32>
        tpu.vector_store %arg14[%swap3A_46, %swap3A_47], %broadcast_in_dim3A_33 {strides = array<i32>} : memref<1x256xf32, #tpu.memory_space<vmem>>, vector<1x256xf32>,
      } else {
      }
      %ne3A = arith.constant 0 : i32
      %ne3A_39 = arith.cmpi ne, %arg0, %ne3A : i32
      %convert_element_type3A_40 = arith.extui %ne3A_39 : i1 to i32
      %cond3A_41 = arith.constant 0 : i32
      %cond3A_42 = arith.cmpi ne, %convert_element_type3A_40, %cond3A_41 : i32
      scf.if %cond3A_42 {
        %get3A_43 = arith.constant 0 : index
        %get3A_44 = arith.constant 0 : index
        %get3A_45 = vector.load %arg13[%get3A_43, %get3A_44] : memref<1x256xf32, #tpu.memory_space<vmem>>, vector<1x256xf32>
        %add3A_46 = arith.addf %get3A_45, %broadcast_in_dim3A : vector<1x256xf32>
        %swap3A_47 = arith.constant 0 : index
        %swap3A_48 = arith.constant 0 : index
        %swap3A_49 = vector.load %arg13[%swap3A_47, %swap3A_48] : memref<1x256xf32, #tpu.memory_space<vmem>>, vector<1x256xf32>
        tpu.vector_store %arg13[%swap3A_47, %swap3A_48], %add3A_46 {strides = array<i32>} : memref<1x256xf32, #tpu.memory_space<vmem>>, vector<1x256xf32>,
        %get3A_50 = arith.constant 0 : index
        %get3A_51 = arith.constant 0 : index
        %get3A_52 = vector.load %arg14[%get3A_50, %get3A_51] : memref<1x256xf32, #tpu.memory_space<vmem>>, vector<1x256xf32>
        %add3A_53 = arith.addf %get3A_52, %broadcast_in_dim3A_33 : vector<1x256xf32>
        %swap3A_54 = arith.constant 0 : index
        %swap3A_55 = arith.constant 0 : index
        %swap3A_56 = vector.load %arg14[%swap3A_54, %swap3A_55] : memref<1x256xf32, #tpu.memory_space<vmem>>, vector<1x256xf32>
        tpu.vector_store %arg14[%swap3A_54, %swap3A_55], %add3A_53 {strides = array<i32>} : memref<1x256xf32, #tpu.memory_space<vmem>>, vector<1x256xf32>,
      } else {
      }
    } else {
    }
    %eq3A = arith.constant 8 : i32
    %eq3A_2 = arith.cmpi eq, %arg0, %eq3A : i32
    %convert_element_type3A_3 = arith.extui %eq3A_2 : i1 to i32
    %cond3A_4 = arith.constant 0 : i32
    %cond3A_5 = arith.cmpi ne, %convert_element_type3A_3, %cond3A_4 : i32
    scf.if %cond3A_5 {
      %get3A = arith.constant 0 : index
      %get3A_10 = arith.constant 0 : index
      %get3A_11 = vector.load %arg13[%get3A, %get3A_10] : memref<1x256xf32, #tpu.memory_space<vmem>>, vector<1x256xf32>
      %mul3A = arith.constant 6.10351563E-5 : f32
      %mul3A_12 = vector.broadcast %mul3A : f32 to vector<1x256xf32>
      %mul3A_13 = arith.mulf %get3A_11, %mul3A_12 : vector<1x256xf32>
      %get3A_14 = arith.constant 0 : index
      %get3A_15 = arith.constant 0 : index
      %get3A_16 = vector.load %arg14[%get3A_14, %get3A_15] : memref<1x256xf32, #tpu.memory_space<vmem>>, vector<1x256xf32>
      %mul3A_17 = arith.constant 6.10351563E-5 : f32
      %mul3A_18 = vector.broadcast %mul3A_17 : f32 to vector<1x256xf32>
      %mul3A_19 = arith.mulf %get3A_16, %mul3A_18 : vector<1x256xf32>
      %mul3A_20 = arith.mulf %mul3A_13, %mul3A_13 : vector<1x256xf32>
      %sub3A = arith.subf %mul3A_19, %mul3A_20 : vector<1x256xf32>
      %add3A = arith.constant 9.99999974E-6 : f32
      %add3A_21 = vector.broadcast %add3A : f32 to vector<1x256xf32>
      %add3A_22 = arith.addf %sub3A, %add3A_21 : vector<1x256xf32>
      %rsqrt3A = math.rsqrt %add3A_22 : vector<1x256xf32>
      %get3A_23 = arith.constant 0 : index
      %get3A_24 = arith.constant 0 : index
      %get3A_25 = vector.load %arg6[%get3A_23, %get3A_24] : memref<1x256xf32, #tpu.memory_space<vmem>>, vector<1x256xf32>
      %mul3A_26 = arith.mulf %get3A_25, %rsqrt3A : vector<1x256xf32>
      %get3A_27 = arith.constant 0 : index
      %get3A_28 = arith.constant 0 : index
      %get3A_29 = vector.load %arg7[%get3A_27, %get3A_28] : memref<1x256xf32, #tpu.memory_space<vmem>>, vector<1x256xf32>
      %mul3A_30 = arith.mulf %mul3A_13, %mul3A_26 : vector<1x256xf32>
      %sub3A_31 = arith.subf %get3A_29, %mul3A_30 : vector<1x256xf32>
      %get3A_32 = arith.constant 0 : index
      %get3A_33 = arith.constant 0 : index
      %get3A_34 = vector.load %arg11[%get3A_32, %get3A_33] : memref<16384x256xf32, #tpu.memory_space<vmem>>, vector<16384x256xf32>
      %mul3A_35 = vector.broadcast %mul3A_26 : vector<1x256xf32> to vector<16384x256xf32>
      %mul3A_36 = arith.mulf %get3A_34, %mul3A_35 : vector<16384x256xf32>
      %add3A_37 = vector.broadcast %sub3A_31 : vector<1x256xf32> to vector<16384x256xf32>
      %add3A_38 = arith.addf %mul3A_36, %add3A_37 : vector<16384x256xf32>
      %max3A = arith.constant 0.000000e+00 : f32
      %max3A_39 = vector.broadcast %max3A : f32 to vector<16384x256xf32>
      %max3A_40 = arith.maximumf %add3A_38, %max3A_39 : vector<16384x256xf32>
      %get3A_41 = arith.constant 0 : index
      %get3A_42 = arith.constant 0 : index
      %get3A_43 = vector.load %arg5[%get3A_41, %get3A_42] : memref<256x128xf32, #tpu.memory_space<vmem>>, vector<256x128xf32>
      %dot_general3A = arith.constant dense<0.000000e+00> : vector<16384x128xf32>
      %dot_general3A_44 = tpu.matmul %max3A_40, %get3A_43, %dot_general3A {dimension_numbers = #tpu.dot_dimension_numbers<[1], [0], [0], [1], [0, 0, 1, 1], [], []>, transpose_lhs_hint = false} : vector<16384x256xf32>, vector<256x128xf32>, vector<16384x128xf32> -> vector<16384x128xf32>
      %swap3A = arith.constant 0 : index
      %swap3A_45 = arith.constant 0 : index
      %swap3A_46 = vector.load %arg12[%swap3A, %swap3A_45] : memref<16384x128xf32, #tpu.memory_space<vmem>>, vector<16384x128xf32>
      tpu.vector_store %arg12[%swap3A, %swap3A_45], %dot_general3A_44 {strides = array<i32>} : memref<16384x128xf32, #tpu.memory_space<vmem>>, vector<16384x128xf32>,
      %reduce_sum3A = arith.constant dense<0.000000e+00> : vector<128xf32>
      %reduce_sum3A_47 = vector.multi_reduction <add>, %dot_general3A_44, %reduce_sum3A [0] : vector<16384x128xf32> to vector<128xf32>
      %broadcast_in_dim3A = vector.shape_cast %reduce_sum3A_47 : vector<128xf32> to vector<1x128xf32>
      %mul3A_48 = arith.mulf %dot_general3A_44, %dot_general3A_44 : vector<16384x128xf32>
      %reduce_sum3A_49 = arith.constant dense<0.000000e+00> : vector<128xf32>
      %reduce_sum3A_50 = vector.multi_reduction <add>, %mul3A_48, %reduce_sum3A_49 [0] : vector<16384x128xf32> to vector<128xf32>
      %broadcast_in_dim3A_51 = vector.shape_cast %reduce_sum3A_50 : vector<128xf32> to vector<1x128xf32>
      %mul3A_52 = arith.constant 6.10351563E-5 : f32
      %mul3A_53 = vector.broadcast %mul3A_52 : f32 to vector<1x128xf32>
      %mul3A_54 = arith.mulf %broadcast_in_dim3A, %mul3A_53 : vector<1x128xf32>
      %mul3A_55 = arith.constant 6.10351563E-5 : f32
      %mul3A_56 = vector.broadcast %mul3A_55 : f32 to vector<1x128xf32>
      %mul3A_57 = arith.mulf %broadcast_in_dim3A_51, %mul3A_56 : vector<1x128xf32>
      %mul3A_58 = arith.mulf %mul3A_54, %mul3A_54 : vector<1x128xf32>
      %sub3A_59 = arith.subf %mul3A_57, %mul3A_58 : vector<1x128xf32>
      %add3A_60 = arith.constant 9.99999974E-6 : f32
      %add3A_61 = vector.broadcast %add3A_60 : f32 to vector<1x128xf32>
      %add3A_62 = arith.addf %sub3A_59, %add3A_61 : vector<1x128xf32>
      %rsqrt3A_63 = math.rsqrt %add3A_62 : vector<1x128xf32>
      %get3A_64 = arith.constant 0 : index
      %get3A_65 = arith.constant 0 : index
      %get3A_66 = vector.load %arg8[%get3A_64, %get3A_65] : memref<1x128xf32, #tpu.memory_space<vmem>>, vector<1x128xf32>
      %mul3A_67 = arith.mulf %get3A_66, %rsqrt3A_63 : vector<1x128xf32>
      %swap3A_68 = arith.constant 0 : index
      %swap3A_69 = arith.constant 0 : index
      %swap3A_70 = vector.load %arg15[%swap3A_68, %swap3A_69] : memref<1x128xf32, #tpu.memory_space<vmem>>, vector<1x128xf32>
      tpu.vector_store %arg15[%swap3A_68, %swap3A_69], %mul3A_67 {strides = array<i32>} : memref<1x128xf32, #tpu.memory_space<vmem>>, vector<1x128xf32>,
      %get3A_71 = arith.constant 0 : index
      %get3A_72 = arith.constant 0 : index
      %get3A_73 = vector.load %arg9[%get3A_71, %get3A_72] : memref<1x128xf32, #tpu.memory_space<vmem>>, vector<1x128xf32>
      %get3A_74 = arith.constant 0 : index
      %get3A_75 = arith.constant 0 : index
      %get3A_76 = vector.load %arg8[%get3A_74, %get3A_75] : memref<1x128xf32, #tpu.memory_space<vmem>>, vector<1x128xf32>
      %mul3A_77 = arith.mulf %get3A_76, %rsqrt3A_63 : vector<1x128xf32>
      %mul3A_78 = arith.mulf %mul3A_54, %mul3A_77 : vector<1x128xf32>
      %sub3A_79 = arith.subf %get3A_73, %mul3A_78 : vector<1x128xf32>
      %swap3A_80 = arith.constant 0 : index
      %swap3A_81 = arith.constant 0 : index
      %swap3A_82 = vector.load %arg16[%swap3A_80, %swap3A_81] : memref<1x128xf32, #tpu.memory_space<vmem>>, vector<1x128xf32>
      tpu.vector_store %arg16[%swap3A_80, %swap3A_81], %sub3A_79 {strides = array<i32>} : memref<1x128xf32, #tpu.memory_space<vmem>>, vector<1x128xf32>,
    } else {
    }
    %gt3A = arith.constant 8 : i32
    %gt3A_6 = arith.cmpi sgt, %arg0, %gt3A : i32
    %convert_element_type3A_7 = arith.extui %gt3A_6 : i1 to i32
    %cond3A_8 = arith.constant 0 : i32
    %cond3A_9 = arith.cmpi ne, %convert_element_type3A_7, %cond3A_8 : i32
    scf.if %cond3A_9 {
      %sub3A = arith.constant 8 : i32
      %sub3A_10 = arith.subi %arg0, %sub3A : i32
      %sub3A_11 = arith.constant 1 : i32
      %sub3A_12 = arith.subi %sub3A_10, %sub3A_11 : i32
      %mul3A = arith.constant 2048 : i32
      %mul3A_13 = arith.muli %sub3A_12, %mul3A : i32
      %get3A = arith.index_cast %mul3A_13 : i32 to index
      %get3A_14 = arith.constant 0 : index
      %get3A_15 = vector.load %arg12[%get3A, %get3A_14] : memref<16384x128xf32, #tpu.memory_space<vmem>>, vector<2048x128xf32>
      %get3A_16 = arith.constant 0 : index
      %get3A_17 = arith.constant 0 : index
      %get3A_18 = vector.load %arg15[%get3A_16, %get3A_17] : memref<1x128xf32, #tpu.memory_space<vmem>>, vector<1x128xf32>
      %mul3A_19 = vector.broadcast %get3A_18 : vector<1x128xf32> to vector<2048x128xf32>
      %mul3A_20 = arith.mulf %get3A_15, %mul3A_19 : vector<2048x128xf32>
      %get3A_21 = arith.constant 0 : index
      %get3A_22 = arith.constant 0 : index
      %get3A_23 = vector.load %arg16[%get3A_21, %get3A_22] : memref<1x128xf32, #tpu.memory_space<vmem>>, vector<1x128xf32>
      %add3A = vector.broadcast %get3A_23 : vector<1x128xf32> to vector<2048x128xf32>
      %add3A_24 = arith.addf %mul3A_20, %add3A : vector<2048x128xf32>
      %max3A = arith.constant 0.000000e+00 : f32
      %max3A_25 = vector.broadcast %max3A : f32 to vector<2048x128xf32>
      %max3A_26 = arith.maximumf %add3A_24, %max3A_25 : vector<2048x128xf32>
      %swap3A = arith.constant 0 : index
      %swap3A_27 = arith.constant 0 : index
      %swap3A_28 = arith.constant 0 : index
      %swap3A_29 = vector.load %arg10[%swap3A, %swap3A_27, %swap3A_28] : memref<1x2048x128xf32, #tpu.memory_space<vmem>>, vector<1x2048x128xf32>
      %swap3A_30 = vector.shape_cast %swap3A_29 : vector<1x2048x128xf32> to vector<2048x128xf32>
      %swap3A_31 = vector.shape_cast %max3A_26 : vector<2048x128xf32> to vector<1x2048x128xf32>
      tpu.vector_store %arg10[%swap3A, %swap3A_27, %swap3A_28], %swap3A_31 {strides = array<i32>} : memref<1x2048x128xf32, #tpu.memory_space<vmem>>, vector<1x2048x128xf32>,
    } else {
    }
    return
  }
  func.func @transform_0(%arg0: i32) -> (i32, i32) {
    %min3A = arith.constant 7 : i32
    %min3A_0 = arith.minsi %arg0, %min3A : i32
    %c0_i32 = arith.constant 0 : i32
    %c0_i32_1 = arith.constant 0 : i32
    return %min3A_0, %c0_i32 : i32, i32
  }
  func.func @transform_1(%arg0: i32) -> (i32, i32, i32) {
    %min3A = arith.constant 7 : i32
    %min3A_0 = arith.minsi %arg0, %min3A : i32
    %c0_i32 = arith.constant 0 : i32
    %c0_i32_1 = arith.constant 0 : i32
    %c0_i32_2 = arith.constant 0 : i32
    return %min3A_0, %c0_i32, %c0_i32_1 : i32, i32, i32
  }
  func.func @transform_2(%arg0: i32) -> (i32, i32) {
    %c0_i32 = arith.constant 0 : i32
    %c0_i32_0 = arith.constant 0 : i32
    %c0_i32_1 = arith.constant 0 : i32
    return %c0_i32, %c0_i32_0 : i32, i32
  }
  func.func @transform_3(%arg0: i32) -> (i32, i32) {
    %c0_i32 = arith.constant 0 : i32
    %c0_i32_0 = arith.constant 0 : i32
    %c0_i32_1 = arith.constant 0 : i32
    return %c0_i32, %c0_i32_0 : i32, i32
  }
  func.func @transform_4(%arg0: i32) -> (i32, i32) {
    %c0_i32 = arith.constant 0 : i32
    %c0_i32_0 = arith.constant 0 : i32
    %c0_i32_1 = arith.constant 0 : i32
    return %c0_i32, %c0_i32_0 : i32, i32
  }
  func.func @transform_5(%arg0: i32) -> (i32, i32) {
    %c0_i32 = arith.constant 0 : i32
    %c0_i32_0 = arith.constant 0 : i32
    %c0_i32_1 = arith.constant 0 : i32
    return %c0_i32, %c0_i32_0 : i32, i32
  }
  func.func @transform_6(%arg0: i32) -> (i32, i32) {
    %c0_i32 = arith.constant 0 : i32
    %c0_i32_0 = arith.constant 0 : i32
    %c0_i32_1 = arith.constant 0 : i32
    return %c0_i32, %c0_i32_0 : i32, i32
  }
  func.func @transform_7(%arg0: i32) -> (i32, i32) {
    %c0_i32 = arith.constant 0 : i32
    %c0_i32_0 = arith.constant 0 : i32
    %c0_i32_1 = arith.constant 0 : i32
    return %c0_i32, %c0_i32_0 : i32, i32
  }
  func.func @transform_8(%arg0: i32) -> (i32, i32) {
    %c0_i32 = arith.constant 0 : i32
    %c0_i32_0 = arith.constant 0 : i32
    %c0_i32_1 = arith.constant 0 : i32
    return %c0_i32, %c0_i32_0 : i32, i32
  }
  func.func @transform_9(%arg0: i32) -> (i32, i32, i32) {
    %sub3A = arith.constant 8 : i32
    %sub3A_0 = arith.subi %arg0, %sub3A : i32
    %sub3A_1 = arith.constant 1 : i32
    %sub3A_2 = arith.subi %sub3A_0, %sub3A_1 : i32
    %max3A = arith.constant 0 : i32
    %max3A_3 = arith.maxsi %sub3A_2, %max3A : i32
    %c0_i32 = arith.constant 0 : i32
    %c0_i32_4 = arith.constant 0 : i32
    %c0_i32_5 = arith.constant 0 : i32
    return %max3A_3, %c0_i32, %c0_i32_4 : i32, i32, i32
  }
}

</mosaic_0001>

<sc_bundles>
// kernel: kernel.5.cloned.1.call-start
scs
__scs_entry_jumppad:
0x0: {  	(pc) =	sbr.rel $0x88, $3  }
0x1: {  	(tag) =	ssettag $0x0;
	lr =	simm.s32 $0x1  }
0x2: {  	[smem:$0x3F97] =	sst lr;
	_ =	strace $0xD0000000  }
0x3: {  	_ = 	snop  }
0x4: {  	_ = 	snop  }
0x5: {  	_ = 	snop  }
0x6: {  	_ = 	snop  }
0x7: {  	_ = 	snop  }
__scs_overlays_trampoline_lowered:
0x8: {  	[smem:$0x3FA6] =	sst s0  }
0x9: {  	[smem:$0x3FA7] =	sst s1  }
0xa: {  	[smem:$0x3FA8] =	sst s2  }
0xb: {  	[smem:$0x3FA9] =	sst s3  }
0xc: {  	[smem:$0x3FAA] =	sst s4  }
0xd: {  	[smem:$0x3FAB] =	sst s5  }
0xe: {  	[smem:$0x3FAC] =	sst s6  }
0xf: {  	[smem:$0x3FAD] =	sst s7  }
0x10: {  	[smem:$0x3FAE] =	sst s8  }
0x11: {  	[smem:$0x3FAF] =	sst s9;
	s0 =	simm.s32 @!p0 $0x0  }
0x12: {  	s1 =	sld [smem:$0x3F95];
	s0 =	simm.s32 @p0 $0x1  }
0x13: {  	[smem:$0x3FB0] =	sst s0;
	s0 =	simm.s32 @!p1 $0x0  }
0x14: {  	s2 =	sld [smem:$0x3F94];
	s0 =	simm.s32 @p1 $0x1  }
0x15: {  	[smem:$0x3FB1] =	sst s0;
	s0 =	simm.s32 @!p2 $0x0  }
0x16: {  	s3 =	sld [smem:$0x3FDB];
	s0 =	simm.s32 @p2 $0x1  }
0x17: {  	s4 =	simm.s32 $0x1BF5;
	[smem:$0x3FB3] =	sst s0  }
0x18: {  	s0 =	sld [smem:$0x3F96];
	_ =	swait.ge [sflag:s4], $0x0  }
0x19: {  	s7 =	sld [smem:$0x3F97]  }
0x1a: {  	s8 =	sadd.s32 $0xFFFFE003, lr  }
0x1b: {  	s9 =	sadd.s32 $0xFFFFFEF7, lr;
	s5 =	simm.s32 $0xFFFFFFFF;
	p2 =	slt.u32 s8, $0xFFFFF086  }
0x1c: {  	p1 =	slt.u32 s9, $0xF7A;
	s5 =	simm.s32 @!p2 $0x0  }
0x1d: {  	s5 =	simm.s32 @p1 $0x1;
	p0 =	seq.s32 s7, s2  }
0x1e: {  	s7 =	smul.u32 @!p0 $0xF7A, s2;
	p2 =	seq.s32 @!p0 s5, $0x0  }
0x1f: {  	s9 =	smul.u32 $0xF7A, s1;
	s8 =	simm.s32 @!p0 $0x1BF5;
	p2 =	por !p2, p0  }
0x20: {  	[sflag:s8] =	ssyncset.s32 @!p0 $0xFFFFF086;
	s6 =	sadd.s32 @!p0 s3, s7;
	s7 =	simm.s32 @!p0 $0x108  }
0x21: {  	s3 =	sadd.s32 s3, s9;
	s6 =	sadd.s32 @!p0 $0x88, s6;
	s7 =	simm.s32 @p2 $0x1082  }
0x22: {  	[simem:s7], [sflag:s8] =	dma.local @!p0 [hbm:s6], $0xF7A  }
0x23: {  	s9 =	sor.u32 $0xD0000000, s2;
	s6 =	simm.s32 $0x108;
	_ =	swait.ge @!p0 [sflag:s8], $0x0  }
0x24: {  	s3 =	sadd.s32 $0x88, s3;
	s6 =	simm.s32 @!p1 $0x1082;
	[sflag:s4] =	ssyncset.s32 $0xFFFFF086  }
0x25: {  	[simem:s6], [sflag:s4] =	dma.local [hbm:s3], $0xF7A  }
0x26: {  	[smem:$0x3F97] =	sst s1;
	(tag) =	ssettag s2;
	_ =	strace s9  }
0x27: {  	s1 =	sld [smem:$0x3FA7]  }
0x28: {  	s2 =	sld [smem:$0x3FA8]  }
0x29: {  	s4 =	sld [smem:$0x3FAA]  }
0x2a: {  	p0 =	seq.s32 s5, $0x0;
	s5 =	sld [smem:$0x3FAB]  }
0x2b: {  	s6 =	sld [smem:$0x3FAC]  }
0x2c: {  	s7 =	sld [smem:$0x3FAD]  }
0x2d: {  	s3 =	simm.s32 $0x108;
	s8 =	sld [smem:$0x3FAE]  }
0x2e: {  	s3 =	simm.s32 @!p0 $0x1082;
	s9 =	sld [smem:$0x3FAF]  }
0x2f: {  	lr =	sadd.s32 s0, s3;
	s0 =	sld [smem:$0x3FA6]  }
0x30: {  	s3 =	sld [smem:$0x3FA9]  }
0x31: {  	[smem:$0x3FB2] =	sst s10  }
0x32: {  	s10 =	sld [smem:$0x3FB0];
	_ =	sdelay $0x3  }
0x33: {  	p0 =	seq.s32 s10, $0x1;
	s10 =	sld [smem:$0x3FB2];
	_ =	sdelay $0x3  }
0x34: {  	[smem:$0x3FB2] =	sst s10  }
0x35: {  	s10 =	sld [smem:$0x3FB1];
	_ =	sdelay $0x3  }
0x36: {  	p1 =	seq.s32 s10, $0x1;
	s10 =	sld [smem:$0x3FB2];
	_ =	sdelay $0x3  }
0x37: {  	[smem:$0x3FB2] =	sst s10  }
0x38: {  	s10 =	sld [smem:$0x3FB3]  }
0x39: {  	_ = 	snop;
	(pc) =	sbr.ind lr, $3  }
0x3a: {  	_ = 	snop  }
0x3b: {  	_ = 	snop  }
0x3c: {  	p2 =	seq.s32 s10, $0x1;
	s10 =	sld [smem:$0x3FB2]  }
0x3d: {  	_ =	shalt  }
0x3e: {  	_ =	shalt  }
0x3f: {  	_ =	shalt  }
0x40: {  	_ =	shalt  }
0x41: {  	_ =	shalt  }
0x42: {  	_ =	shalt  }
0x43: {  	_ =	shalt  }
0x44: {  	_ =	shalt  }
0x45: {  	_ =	shalt  }
0x46: {  	_ =	shalt  }
0x47: {  	_ =	shalt  }
0x48: {  	_ =	shalt  }
0x49: {  	_ =	shalt  }
0x4a: {  	_ =	shalt  }
0x4b: {  	_ =	shalt  }
0x4c: {  	_ =	shalt  }
0x4d: {  	_ =	shalt  }
0x4e: {  	_ =	shalt  }
0x4f: {  	_ =	shalt  }
0x50: {  	_ =	shalt  }
0x51: {  	_ =	shalt  }
0x52: {  	_ =	shalt  }
0x53: {  	_ =	shalt  }
0x54: {  	_ =	shalt  }
0x55: {  	_ =	shalt  }
0x56: {  	_ =	shalt  }
0x57: {  	_ =	shalt  }
0x58: {  	_ =	shalt  }
0x59: {  	_ =	shalt  }
0x5a: {  	_ =	shalt  }
0x5b: {  	_ =	shalt  }
0x5c: {  	_ =	shalt  }
0x5d: {  	_ =	shalt  }
0x5e: {  	_ =	shalt  }
0x5f: {  	_ =	shalt  }
0x60: {  	_ =	shalt  }
0x61: {  	_ =	shalt  }
0x62: {  	_ =	shalt  }
0x63: {  	_ =	shalt  }
0x64: {  	_ =	shalt  }
0x65: {  	_ =	shalt  }
0x66: {  	_ =	shalt  }
0x67: {  	_ =	shalt  }
0x68: {  	_ =	shalt  }
0x69: {  	_ =	shalt  }
0x6a: {  	_ =	shalt  }
0x6b: {  	_ =	shalt  }
0x6c: {  	_ =	shalt  }
0x6d: {  	_ =	shalt  }
0x6e: {  	_ =	shalt  }
0x6f: {  	_ =	shalt  }
0x70: {  	_ =	shalt  }
0x71: {  	_ =	shalt  }
0x72: {  	_ =	shalt  }
0x73: {  	_ =	shalt  }
0x74: {  	_ =	shalt  }
0x75: {  	_ =	shalt  }
0x76: {  	_ =	shalt  }
0x77: {  	_ =	shalt  }
0x78: {  	_ =	shalt  }
0x79: {  	_ =	shalt  }
0x7a: {  	_ =	shalt  }
0x7b: {  	_ =	shalt  }
0x7c: {  	_ =	shalt  }
0x7d: {  	_ =	shalt  }
0x7e: {  	_ =	shalt  }
0x7f: {  	_ =	shalt  }
0x80: {  	_ =	shalt  }
0x81: {  	_ =	shalt  }
0x82: {  	_ =	shalt  }
0x83: {  	_ =	shalt  }
0x84: {  	_ =	shalt  }
0x85: {  	_ =	shalt  }
0x86: {  	_ =	shalt  }
0x87: {  	_ =	shalt  }
.Lfunc_end0:
.L_simem_size_0:
called_computation_lowered:
.L_overlay_start_0:
0x88: {  	s2 =	sld [smem:$0x3FD9]  }
0x89: {  	s3 =	sld [smem:$0x3FFE];
	_ =	sdelay $0x1  }
0x8a: {  	s1 =	srdreg.scid  }
0x8b: {  	s0 =	sand.u32 $0x1, s1  }
0x8c: {  	s17 =	sshll.u32 s0, $0xA;
	s2 =	sadd.s32 s3, s2  }
0x8d: {  	s2 =	sadd.s32 s2, s17  }
0x8e: {  	[smem:$0x3FBE] =	sst s2  }
0x8f: {  	_ = 	snop  }
0x90: {  	s2 =	sld [smem:$0x3FD0];
	(tm) =	ssettm $0x1  }
0x91: {  	s18 =	sld [smem:$0x3FFB];
	_ =	sdelay $0x3  }
0x92: {  	_ =	strace s18  }
0x93: {  	s3 =	sld [smem:$0x3FFC];
	_ =	sdelay $0x3  }
0x94: {  	_ =	strace s3  }
0x95: {  	s3 =	sld [smem:$0x3FFD];
	_ =	sdelay $0x3  }
0x96: {  	_ =	strace s3  }
0x97: {  	_ =	strace $0x8FFFFFFF  }
0x98: {  	s19 =	sld [smem:$0x3FDB];
	_ =	sdelay $0x1  }
0x99: {  	s4 =	simm.s32 $_scs_section_size  }
0x9a: {  	s5 =	simm.s32 $_size__tile_overlayer_lowered;
	s6 =	simm.s32 $_tile_overlayer_lowered  }
0x9b: {  	s22 =	simm.s32 $0x1BFF;
	s21 =	sshll.u32 s6, $0x1;
	s3 =	sadd.s32 s4, s19  }
0x9c: {  	s7 =	simm.s32 $0x0;
	s20 =	sshll.u32 s5, $0x1;
	s5 =	sadd.s32 s21, s3  }
0x9d: {  	[timem:s7], [sflag:s22] =	dma.local [hbm:s5], s20  }
0x9e: {  	_ =	swait.ge [sflag:s22], s20  }
0x9f: {  	s4 =	ssub.s32 $0x0, s20;
	[sflag:s22] =	ssyncset.done $0x0  }
0xa0: {  	[sflag:s22] =	ssyncadd.s32 s4;
	_ =	sdelay $0x1  }
0xa1: {  	s23 =	simm.s32 $0x1B8B  }
0xa2: {  	_ =	swait.ge [sflag:s23], $0x1  }
0xa3: {  	[sflag:s23] =	ssyncset.done $0x0  }
0xa4: {  	s25 =	simm.s32 $0x1B8E;
	s24 =	sld [smem:$0x3FFE];
	[sflag:s23] =	ssyncadd.s32 $0xFFFFFFFF  }
0xa5: {  	s26 =	simm.s32 $execute0_lowered;
	[smem:$0x3FD2] =	sst s25  }
0xa6: {  	s5 =	sshll.u32 s26, $0x1;
	_ =	strace $0x80000046;
	[dreg:$0x1] =	wrdreg $0xFFFFFFFF  }
0xa7: {  	s28 =	simm.s32 $_size_execute0_lowered;
	s3 =	sadd.s32 s3, s5;
	[dreg:$0x0] =	wrdreg $0x0  }
0xa8: {  	s5 =	sshll.u32 s28, $0x1;
	[dreg:$0x2] =	wrdreg s3  }
0xa9: {  	[dreg:$0x3] =	wrdreg s5  }
0xaa: {  	[dreg:$0x4] =	wrdreg $0xC0  }
0xab: {  	_ =	task [dreg:s7], $0x5FFFF  }
0xac: {  	[dreg:$0x1] =	wrdreg $0xFFFFFFFF  }
0xad: {  	[dreg:$0x0] =	wrdreg $0x60  }
0xae: {  	[dreg:$0x2] =	wrdreg s24  }
0xaf: {  	[dreg:$0x3] =	wrdreg s2  }
0xb0: {  	[dreg:$0x4] =	wrdreg $0x9  }
0xb1: {  	_ =	task.clear_ibuf [dreg:s7], $0x5FFFF;
	_ =	strace $0x90000046  }
0xb2: {  	s29 =	simm.s32 $0x9;
	_ =	strace $0x80000048  }
0xb3: {  	_ =	swait.ge [sflag:s29], $0x1  }
0xb4: {  	[sflag:s29] =	ssyncadd.s32 $0xFFFFFFFF  }
0xb5: {  	_ =	strace $0x90000048  }
0xb6: {  	_ =	sfence  }
0xb7: {  	s30 =	sld [smem:$0x0];
	_ =	sdelay $0x2  }
0xb8: {  	s31 =	sshll.u32 s1, $0xD;
	s1 =	sshrl.u32 s1, $0x2  }
0xb9: {  	s3 =	sand.u32 $0x4000, s31;
	s1 =	sadd.s32 s1, s30  }
0xba: {  	s0 =	sor.u32 s3, s0;
	s1 =	sshll.u32 s1, $0x11  }
0xbb: {  	s0 =	sor.u32 s1, s0  }
0xbc: {  	s0 =	sadd.s32 $0x8F2B, s0  }
0xbd: {  	[sflag:s0] =	ssyncadd.remote.s32 $0x1  }
0xbe: {  	_ =	sfence.sel $0xFFFF  }
0xbf: {  	[dreg:$0x0] =	wrdreg $0xFFFFFFFF;
	(pc) =	sbr.abs _section_cstart, $3  }
0xc0: {  	[dreg:$0x1] =	wrdreg $0xFFFFFFFF  }
0xc1: {  	_ =	task.clear_ibuf [dreg:s7], $0x2FFFF;
	_ =	strace $0x9FFFFFFF  }
0xc2: {  	(tm) =	ssettm $0x7FFFFFFF  }
0xc3: {  	_ =	shalt  }
tec
execute0_lowered:
.L_overlay_start_1:
0x0: {  	(tag) =	ssettag $0x1  }
0x1: {  	s4 =	rddreg [dreg:$0x0]  }
0x2: {  	s1 =	srdreg.scid;
	s0 =	stileid.u32  }
0x3: {  	s5 =	rddreg [dreg:$0x1];
	s2 =	simm.s32 $0x0;
	s11 =	simm.s32 $0x1  }
0x4: {  	s12 =	simm.s32 $0x9600;
	s6 =	sand.u32 $0x1, s1;
	s3 =	sshll.u32 s0, $0x1  }
0x5: {  	s13 =	simm.s32 $0x0;
	[smem:$0x7FF] =	sst s2;
	s7 =	sor.u32 s6, s3  }
0x6: {  	s1 =	rddreg [dreg:$0x2];
	_ =	strace $0x80000047;
	s8 =	smul.u32 $0xC0, s7  }
0x7: {  	s6 =	ssub.s32 $0x2, s6;
	s9 =	sshll.u32 s7, $0xE;
	s7 =	smul.u32 $0xC00, s7  }
0x8: {  	s3 =	sadd.s32 $0x2400, s4;
	s10 =	sshrl.u32 s6, $0x1;
	s9 =	sadd.s32 s9, s4  }
0x9: {  	s10 =	ssub.s32 s6, s10;
	s8 =	sadd.s32 s8, s4;
	s5 =	sadd.s32 s5, s7  }
0xa: {  	s6 =	sadd.s32 $0x23C00, s9;
	s7 =	smax.u32 s10, $0x1;
	s9 =	simm.s32 $0x30  }
0xb: {  	s10 =	simm.s32 $0x6600;
	s4 =	sadd.s32 $0x22400, s8;
	s8 =	simm.s32 $0x2  }
.LBB2_1:
0xc: {  	[tilespmem:s2], [sflag:$0x2] =	stream.linear.gather [hbm4b:s4+s2], $0x600, $0x38;
	[tilespmem:$0xA600] =	vst v63  }
0xd: {  	_ =	swait.ge [sflag:s8], $0x600  }
0xe: {  	[sflag:s8] =	ssyncset.done $0x0  }
0xf: {  	s14 =	simm.s32 $0x600;
	[sflag:s8] =	ssyncadd.s32 $0xFFFFFA00  }
0x10: {  	[tilespmem:s14], [sflag:$0x2] =	stream.linear.gather [hbm4b:s5+s2], $0x6000, $0x38;
	[tilespmem:$0xA600] =	vst v63  }
0x11: {  	_ =	swait.ge [sflag:s8], $0x6000  }
0x12: {  	[sflag:s8] =	ssyncset.done $0x0  }
0x13: {  	s15 =	simm.s32 $0x0;
	[sflag:s8] =	ssyncadd.s32 $0xFFFFA000  }
.LBB2_2:
0x14: {  	s16 =	smul.u32 $0x30, s15;
	_ =	sdelay $0x1  }
0x15: {  	v0 =	vmov s14;
	[tilespmem:s10], [sflag:$0x1] =	stream.indirect.gather [hbm4b:s3+s9], $0x100, s16, s9, $0xb8;
	[tilespmem:$0xA600] =	vst v63  }
0x16: {  	_ =	swait.ge [sflag:s11], $0x3000  }
0x17: {  	[sflag:s11] =	ssyncset.done $0x0  }
0x18: {  	s16 =	simm.s32 $0x6780;
	[sflag:s11] =	ssyncadd.s32 $0xFFFFD000  }
0x19: {  	s17 =	simm.s32 $0x0;
	v4 =	vld [tilespmem:s16+$0xFFFFFE80]  }
0x1a: {  	v2 =	vld.idx.msk [tilespmem:v0+s17+$0x0 ss:$0x1], $0xffff  }
0x1b: {  	v1 =	vld.idx.msk [tilespmem:v0+s17+$0x10 ss:$0x1], $0xffff  }
0x1c: {  	v5 =	vld [tilespmem:s16+$0xFFFFFF80]  }
0x1d: {  	v3 =	vld.idx.msk [tilespmem:v0+s17+$0x20 ss:$0x1], $0xffff  }
0x1e: {  	v6 =	vld [tilespmem:s16+$0x80];
	_ =	sdelay $0x2  }
0x1f: {  	v4 =	vmul.f32 v4, v2;
	v5 =	vmul.f32 v5, v1;
	_ =	sdelay $0x1  }
0x20: {  	v4 =	vadd.f32 v5, v4;
	v5 =	vmul.f32 v6, v3;
	_ =	sdelay $0x1  }
0x21: {  	v4 =	vadd.f32 v5, v4  }
0x22: {  	s17 =	simm.s32 $0x9680  }
0x23: {  	[tilespmem:s17+$0xFFFFFF80] =	vst v4  }
0x24: {  	v4 =	vld [tilespmem:s16+$0xFFFFFF90]  }
0x25: {  	v5 =	vld [tilespmem:s16+$0xFFFFFE90];
	_ =	sdelay $0x1  }
0x26: {  	v6 =	vld [tilespmem:s16+$0x90];
	_ =	sdelay $0x2  }
0x27: {  	v4 =	vmul.f32 v4, v1;
	v5 =	vmul.f32 v5, v2;
	_ =	sdelay $0x1  }
0x28: {  	v4 =	vadd.f32 v4, v5;
	v5 =	vmul.f32 v6, v3;
	_ =	sdelay $0x1  }
0x29: {  	v4 =	vadd.f32 v5, v4;
	_ =	sdelay $0x1  }
0x2a: {  	[tilespmem:s17+$0xFFFFFF90] =	vst v4  }
0x2b: {  	v4 =	vld [tilespmem:s16+$0xFFFFFFA0]  }
0x2c: {  	v5 =	vld [tilespmem:s16+$0xFFFFFEA0];
	_ =	sdelay $0x1  }
0x2d: {  	v6 =	vld [tilespmem:s16+$0xA0];
	_ =	sdelay $0x2  }
0x2e: {  	v4 =	vmul.f32 v4, v1;
	v5 =	vmul.f32 v5, v2;
	_ =	sdelay $0x1  }
0x2f: {  	v6 =	vmul.f32 v6, v3;
	v4 =	vadd.f32 v4, v5;
	_ =	sdelay $0x1  }
0x30: {  	v4 =	vadd.f32 v6, v4;
	_ =	sdelay $0x1  }
0x31: {  	[tilespmem:s17+$0xFFFFFFA0] =	vst v4  }
0x32: {  	v4 =	vld [tilespmem:s16+$0xFFFFFEB0]  }
0x33: {  	v5 =	vld [tilespmem:s16+$0xFFFFFFB0];
	_ =	sdelay $0x1  }
0x34: {  	v6 =	vld [tilespmem:s16+$0xB0];
	_ =	sdelay $0x2  }
0x35: {  	v4 =	vmul.f32 v4, v2;
	v5 =	vmul.f32 v5, v1;
	_ =	sdelay $0x1  }
0x36: {  	v4 =	vadd.f32 v5, v4;
	v5 =	vmul.f32 v6, v3;
	_ =	sdelay $0x1  }
0x37: {  	v4 =	vadd.f32 v5, v4;
	_ =	sdelay $0x1  }
0x38: {  	[tilespmem:s17+$0xFFFFFFB0] =	vst v4  }
0x39: {  	v4 =	vld [tilespmem:s16+$0xFFFFFEC0]  }
0x3a: {  	v5 =	vld [tilespmem:s16+$0xFFFFFFC0];
	_ =	sdelay $0x1  }
0x3b: {  	v6 =	vld [tilespmem:s16+$0xC0];
	_ =	sdelay $0x2  }
0x3c: {  	v4 =	vmul.f32 v4, v2;
	v5 =	vmul.f32 v5, v1;
	_ =	sdelay $0x1  }
0x3d: {  	v4 =	vadd.f32 v5, v4;
	v5 =	vmul.f32 v6, v3;
	_ =	sdelay $0x1  }
0x3e: {  	v4 =	vadd.f32 v5, v4;
	_ =	sdelay $0x1  }
0x3f: {  	[tilespmem:s17+$0xFFFFFFC0] =	vst v4  }
0x40: {  	v4 =	vld [tilespmem:s16+$0xFFFFFED0]  }
0x41: {  	v5 =	vld [tilespmem:s16+$0xFFFFFFD0];
	_ =	sdelay $0x1  }
0x42: {  	v6 =	vld [tilespmem:s16+$0xD0];
	_ =	sdelay $0x2  }
0x43: {  	v4 =	vmul.f32 v4, v2;
	v5 =	vmul.f32 v5, v1;
	_ =	sdelay $0x1  }
0x44: {  	v6 =	vmul.f32 v6, v3;
	v4 =	vadd.f32 v5, v4;
	_ =	sdelay $0x1  }
0x45: {  	v4 =	vadd.f32 v6, v4;
	_ =	sdelay $0x1  }
0x46: {  	[tilespmem:s17+$0xFFFFFFD0] =	vst v4  }
0x47: {  	v4 =	vld [tilespmem:s16+$0xFFFFFEE0]  }
0x48: {  	v5 =	vld [tilespmem:s16+$0xFFFFFFE0];
	_ =	sdelay $0x1  }
0x49: {  	v6 =	vld [tilespmem:s16+$0xE0];
	_ =	sdelay $0x2  }
0x4a: {  	v4 =	vmul.f32 v4, v2;
	v5 =	vmul.f32 v5, v1;
	_ =	sdelay $0x1  }
0x4b: {  	v6 =	vmul.f32 v6, v3;
	v4 =	vadd.f32 v5, v4;
	_ =	sdelay $0x1  }
0x4c: {  	v4 =	vadd.f32 v6, v4;
	_ =	sdelay $0x1  }
0x4d: {  	[tilespmem:s17+$0xFFFFFFE0] =	vst v4  }
0x4e: {  	v4 =	vld [tilespmem:s16+$0xFFFFFEF0]  }
0x4f: {  	v5 =	vld [tilespmem:s16+$0xFFFFFFF0];
	_ =	sdelay $0x1  }
0x50: {  	v6 =	vld [tilespmem:s16+$0xF0];
	_ =	sdelay $0x2  }
0x51: {  	v4 =	vmul.f32 v4, v2;
	v5 =	vmul.f32 v5, v1;
	_ =	sdelay $0x1  }
0x52: {  	v4 =	vadd.f32 v5, v4;
	v5 =	vmul.f32 v6, v3;
	_ =	sdelay $0x1  }
0x53: {  	v4 =	vadd.f32 v5, v4;
	_ =	sdelay $0x1  }
0x54: {  	[tilespmem:s17+$0xFFFFFFF0] =	vst v4  }
0x55: {  	v4 =	vld [tilespmem:s16+$0xFFFFFF00]  }
0x56: {  	v5 =	vld [tilespmem:s16+$0x0];
	_ =	sdelay $0x1  }
0x57: {  	v6 =	vld [tilespmem:s16+$0x100];
	_ =	sdelay $0x2  }
0x58: {  	v4 =	vmul.f32 v4, v2;
	v5 =	vmul.f32 v5, v1;
	_ =	sdelay $0x1  }
0x59: {  	v6 =	vmul.f32 v6, v3;
	v4 =	vadd.f32 v5, v4;
	_ =	sdelay $0x1  }
0x5a: {  	v4 =	vadd.f32 v6, v4;
	_ =	sdelay $0x1  }
0x5b: {  	[tilespmem:s17+$0x0] =	vst v4  }
0x5c: {  	v4 =	vld [tilespmem:s16+$0xFFFFFF10]  }
0x5d: {  	v5 =	vld [tilespmem:s16+$0x10];
	_ =	sdelay $0x1  }
0x5e: {  	v6 =	vld [tilespmem:s16+$0x110];
	_ =	sdelay $0x2  }
0x5f: {  	v4 =	vmul.f32 v4, v2;
	v5 =	vmul.f32 v5, v1;
	_ =	sdelay $0x1  }
0x60: {  	v4 =	vadd.f32 v5, v4;
	v5 =	vmul.f32 v6, v3;
	_ =	sdelay $0x1  }
0x61: {  	v4 =	vadd.f32 v5, v4;
	_ =	sdelay $0x1  }
0x62: {  	[tilespmem:s17+$0x10] =	vst v4  }
0x63: {  	v4 =	vld [tilespmem:s16+$0xFFFFFF20]  }
0x64: {  	v5 =	vld [tilespmem:s16+$0x20];
	_ =	sdelay $0x1  }
0x65: {  	v6 =	vld [tilespmem:s16+$0x120];
	_ =	sdelay $0x2  }
0x66: {  	v4 =	vmul.f32 v4, v2;
	v5 =	vmul.f32 v5, v1;
	_ =	sdelay $0x1  }
0x67: {  	v6 =	vmul.f32 v6, v3;
	v4 =	vadd.f32 v5, v4;
	_ =	sdelay $0x1  }
0x68: {  	v4 =	vadd.f32 v6, v4;
	_ =	sdelay $0x1  }
0x69: {  	[tilespmem:s17+$0x20] =	vst v4  }
0x6a: {  	v4 =	vld [tilespmem:s16+$0xFFFFFF30]  }
0x6b: {  	v5 =	vld [tilespmem:s16+$0x30];
	_ =	sdelay $0x1  }
0x6c: {  	v6 =	vld [tilespmem:s16+$0x130];
	_ =	sdelay $0x2  }
0x6d: {  	v4 =	vmul.f32 v4, v2;
	v5 =	vmul.f32 v5, v1;
	_ =	sdelay $0x1  }
0x6e: {  	v6 =	vmul.f32 v6, v3;
	v4 =	vadd.f32 v5, v4;
	_ =	sdelay $0x1  }
0x6f: {  	v4 =	vadd.f32 v6, v4;
	_ =	sdelay $0x1  }
0x70: {  	[tilespmem:s17+$0x30] =	vst v4  }
0x71: {  	v4 =	vld [tilespmem:s16+$0xFFFFFF40]  }
0x72: {  	v5 =	vld [tilespmem:s16+$0x40];
	_ =	sdelay $0x1  }
0x73: {  	v6 =	vld [tilespmem:s16+$0x140];
	_ =	sdelay $0x2  }
0x74: {  	v4 =	vmul.f32 v4, v2;
	v5 =	vmul.f32 v5, v1;
	_ =	sdelay $0x1  }
0x75: {  	v6 =	vmul.f32 v6, v3;
	v4 =	vadd.f32 v5, v4;
	_ =	sdelay $0x1  }
0x76: {  	v4 =	vadd.f32 v6, v4;
	_ =	sdelay $0x1  }
0x77: {  	[tilespmem:s17+$0x40] =	vst v4  }
0x78: {  	v4 =	vld [tilespmem:s16+$0x50]  }
0x79: {  	v5 =	vld [tilespmem:s16+$0xFFFFFF50];
	_ =	sdelay $0x1  }
0x7a: {  	v6 =	vld [tilespmem:s16+$0x150];
	_ =	sdelay $0x2  }
0x7b: {  	v4 =	vmul.f32 v4, v1;
	v5 =	vmul.f32 v5, v2;
	_ =	sdelay $0x1  }
0x7c: {  	v6 =	vmul.f32 v6, v3;
	v4 =	vadd.f32 v4, v5;
	_ =	sdelay $0x1  }
0x7d: {  	v4 =	vadd.f32 v6, v4;
	_ =	sdelay $0x1  }
0x7e: {  	[tilespmem:s17+$0x50] =	vst v4  }
0x7f: {  	v4 =	vld [tilespmem:s16+$0xFFFFFF60]  }
0x80: {  	s19 =	simm.s32 $0xC0;
	s20 =	simm.s32 $0x6780;
	s18 =	simm.s32 $0x9680;
	v5 =	vld [tilespmem:s16+$0x60]  }
.LBB2_3:
0x81: {  	p0 =	sne.s32 s19, $0xB40;
	v6 =	vld [tilespmem:s16+$0x160];
	s17 =	sadd.s32 $0x100, s17;
	s20 =	sadd.s32 $0x300, s20  }
0x82: {  	s21 =	smov.u32 s19;
	s19 =	sadd.s32 $0xC0, s19;
	_ =	sdelay $0x1  }
0x83: {  	v4 =	vmul.f32 v4, v2  }
0x84: {  	v5 =	vmul.f32 v5, v1  }
0x85: {  	v6 =	vmul.f32 v6, v3  }
0x86: {  	v4 =	vadd.f32 v5, v4;
	_ =	sdelay $0x1  }
0x87: {  	v4 =	vadd.f32 v6, v4;
	_ =	sdelay $0x1  }
0x88: {  	[tilespmem:s18+$0x60] =	vst v4  }
0x89: {  	v4 =	vld [tilespmem:s16+$0xFFFFFF70]  }
0x8a: {  	v5 =	vld [tilespmem:s16+$0x70]  }
0x8b: {  	v6 =	vld [tilespmem:s16+$0x170];
	s16 =	smov.u32 s20;
	_ =	sdelay $0x2  }
0x8c: {  	v2 =	vmul.f32 v4, v2  }
0x8d: {  	s21 =	sshra.s32 s21, $0x2;
	v1 =	vmul.f32 v5, v1  }
0x8e: {  	v3 =	vmul.f32 v6, v3  }
0x8f: {  	v1 =	vadd.f32 v1, v2;
	_ =	sdelay $0x1  }
0x90: {  	v1 =	vadd.f32 v3, v1;
	_ =	sdelay $0x1  }
0x91: {  	[tilespmem:s18+$0x70] =	vst v1;
	s18 =	smov.u32 s17  }
0x92: {  	v4 =	vld [tilespmem:s20+$0xFFFFFE80]  }
0x93: {  	v2 =	vld.idx.msk [tilespmem:v0+s21+$0x0 ss:$0x1], $0xffff  }
0x94: {  	v1 =	vld.idx.msk [tilespmem:v0+s21+$0x10 ss:$0x1], $0xffff  }
0x95: {  	v5 =	vld [tilespmem:s20+$0xFFFFFF80]  }
0x96: {  	v3 =	vld.idx.msk [tilespmem:v0+s21+$0x20 ss:$0x1], $0xffff  }
0x97: {  	v6 =	vld [tilespmem:s20+$0x80];
	_ =	sdelay $0x1  }
0x98: {  	v4 =	vmul.f32 v4, v2  }
0x99: {  	v5 =	vmul.f32 v5, v1;
	_ =	sdelay $0x1  }
0x9a: {  	v4 =	vadd.f32 v5, v4;
	v5 =	vmul.f32 v6, v3;
	_ =	sdelay $0x1  }
0x9b: {  	v4 =	vadd.f32 v5, v4;
	_ =	sdelay $0x1  }
0x9c: {  	[tilespmem:s17+$0xFFFFFF80] =	vst v4  }
0x9d: {  	v4 =	vld [tilespmem:s20+$0xFFFFFF90]  }
0x9e: {  	v5 =	vld [tilespmem:s20+$0xFFFFFE90];
	_ =	sdelay $0x1  }
0x9f: {  	v6 =	vld [tilespmem:s20+$0x90];
	_ =	sdelay $0x1  }
0xa0: {  	v4 =	vmul.f32 v4, v1  }
0xa1: {  	v5 =	vmul.f32 v5, v2;
	_ =	sdelay $0x1  }
0xa2: {  	v4 =	vadd.f32 v4, v5;
	v5 =	vmul.f32 v6, v3;
	_ =	sdelay $0x1  }
0xa3: {  	v4 =	vadd.f32 v5, v4;
	_ =	sdelay $0x1  }
0xa4: {  	[tilespmem:s17+$0xFFFFFF90] =	vst v4  }
0xa5: {  	v4 =	vld [tilespmem:s20+$0xFFFFFFA0]  }
0xa6: {  	v5 =	vld [tilespmem:s20+$0xFFFFFEA0]  }
0xa7: {  	v6 =	vld [tilespmem:s20+$0xA0];
	_ =	sdelay $0x2  }
0xa8: {  	v4 =	vmul.f32 v4, v1  }
0xa9: {  	v5 =	vmul.f32 v5, v2  }
0xaa: {  	v6 =	vmul.f32 v6, v3  }
0xab: {  	v4 =	vadd.f32 v4, v5;
	_ =	sdelay $0x1  }
0xac: {  	v4 =	vadd.f32 v6, v4;
	_ =	sdelay $0x1  }
0xad: {  	[tilespmem:s17+$0xFFFFFFA0] =	vst v4  }
0xae: {  	v4 =	vld [tilespmem:s20+$0xFFFFFEB0]  }
0xaf: {  	v5 =	vld [tilespmem:s20+$0xFFFFFFB0];
	_ =	sdelay $0x1  }
0xb0: {  	v6 =	vld [tilespmem:s20+$0xB0];
	_ =	sdelay $0x1  }
0xb1: {  	v4 =	vmul.f32 v4, v2  }
0xb2: {  	v5 =	vmul.f32 v5, v1;
	_ =	sdelay $0x1  }
0xb3: {  	v4 =	vadd.f32 v5, v4;
	v5 =	vmul.f32 v6, v3;
	_ =	sdelay $0x1  }
0xb4: {  	v4 =	vadd.f32 v5, v4;
	_ =	sdelay $0x1  }
0xb5: {  	[tilespmem:s17+$0xFFFFFFB0] =	vst v4  }
0xb6: {  	v4 =	vld [tilespmem:s20+$0xFFFFFEC0]  }
0xb7: {  	v5 =	vld [tilespmem:s20+$0xFFFFFFC0];
	_ =	sdelay $0x1  }
0xb8: {  	v6 =	vld [tilespmem:s20+$0xC0];
	_ =	sdelay $0x1  }
0xb9: {  	v4 =	vmul.f32 v4, v2  }
0xba: {  	v5 =	vmul.f32 v5, v1;
	_ =	sdelay $0x1  }
0xbb: {  	v4 =	vadd.f32 v5, v4;
	v5 =	vmul.f32 v6, v3;
	_ =	sdelay $0x1  }
0xbc: {  	v4 =	vadd.f32 v5, v4;
	_ =	sdelay $0x1  }
0xbd: {  	[tilespmem:s17+$0xFFFFFFC0] =	vst v4  }
0xbe: {  	v4 =	vld [tilespmem:s20+$0xFFFFFED0]  }
0xbf: {  	v5 =	vld [tilespmem:s20+$0xFFFFFFD0]  }
0xc0: {  	v6 =	vld [tilespmem:s20+$0xD0];
	_ =	sdelay $0x2  }
0xc1: {  	v4 =	vmul.f32 v4, v2  }
0xc2: {  	v5 =	vmul.f32 v5, v1  }
0xc3: {  	v6 =	vmul.f32 v6, v3  }
0xc4: {  	v4 =	vadd.f32 v5, v4;
	_ =	sdelay $0x1  }
0xc5: {  	v4 =	vadd.f32 v6, v4;
	_ =	sdelay $0x1  }
0xc6: {  	[tilespmem:s17+$0xFFFFFFD0] =	vst v4  }
0xc7: {  	v4 =	vld [tilespmem:s20+$0xFFFFFEE0]  }
0xc8: {  	v5 =	vld [tilespmem:s20+$0xFFFFFFE0]  }
0xc9: {  	v6 =	vld [tilespmem:s20+$0xE0];
	_ =	sdelay $0x2  }
0xca: {  	v4 =	vmul.f32 v4, v2  }
0xcb: {  	v5 =	vmul.f32 v5, v1  }
0xcc: {  	v6 =	vmul.f32 v6, v3  }
0xcd: {  	v4 =	vadd.f32 v5, v4;
	_ =	sdelay $0x1  }
0xce: {  	v4 =	vadd.f32 v6, v4;
	_ =	sdelay $0x1  }
0xcf: {  	[tilespmem:s17+$0xFFFFFFE0] =	vst v4  }
0xd0: {  	v4 =	vld [tilespmem:s20+$0xFFFFFEF0]  }
0xd1: {  	v5 =	vld [tilespmem:s20+$0xFFFFFFF0]  }
0xd2: {  	v6 =	vld [tilespmem:s20+$0xF0];
	_ =	sdelay $0x2  }
0xd3: {  	v4 =	vmul.f32 v4, v2  }
0xd4: {  	v5 =	vmul.f32 v5, v1;
	_ =	sdelay $0x1  }
0xd5: {  	v4 =	vadd.f32 v5, v4;
	v5 =	vmul.f32 v6, v3;
	_ =	sdelay $0x1  }
0xd6: {  	v4 =	vadd.f32 v5, v4;
	_ =	sdelay $0x1  }
0xd7: {  	[tilespmem:s17+$0xFFFFFFF0] =	vst v4  }
0xd8: {  	v4 =	vld [tilespmem:s20+$0xFFFFFF00]  }
0xd9: {  	v5 =	vld [tilespmem:s20+$0x0]  }
0xda: {  	v6 =	vld [tilespmem:s20+$0x100];
	_ =	sdelay $0x2  }
0xdb: {  	v4 =	vmul.f32 v4, v2  }
0xdc: {  	v5 =	vmul.f32 v5, v1  }
0xdd: {  	v6 =	vmul.f32 v6, v3  }
0xde: {  	v4 =	vadd.f32 v5, v4;
	_ =	sdelay $0x1  }
0xdf: {  	v4 =	vadd.f32 v6, v4;
	_ =	sdelay $0x1  }
0xe0: {  	[tilespmem:s17+$0x0] =	vst v4  }
0xe1: {  	v4 =	vld [tilespmem:s20+$0xFFFFFF10]  }
0xe2: {  	v5 =	vld [tilespmem:s20+$0x10]  }
0xe3: {  	v6 =	vld [tilespmem:s20+$0x110];
	_ =	sdelay $0x2  }
0xe4: {  	v4 =	vmul.f32 v4, v2  }
0xe5: {  	v5 =	vmul.f32 v5, v1;
	_ =	sdelay $0x1  }
0xe6: {  	v4 =	vadd.f32 v5, v4;
	v5 =	vmul.f32 v6, v3;
	_ =	sdelay $0x1  }
0xe7: {  	v4 =	vadd.f32 v5, v4;
	_ =	sdelay $0x1  }
0xe8: {  	[tilespmem:s17+$0x10] =	vst v4  }
0xe9: {  	v4 =	vld [tilespmem:s20+$0xFFFFFF20]  }
0xea: {  	v5 =	vld [tilespmem:s20+$0x20]  }
0xeb: {  	v6 =	vld [tilespmem:s20+$0x120];
	_ =	sdelay $0x2  }
0xec: {  	v4 =	vmul.f32 v4, v2  }
0xed: {  	v5 =	vmul.f32 v5, v1  }
0xee: {  	v6 =	vmul.f32 v6, v3  }
0xef: {  	v4 =	vadd.f32 v5, v4;
	_ =	sdelay $0x1  }
0xf0: {  	v4 =	vadd.f32 v6, v4;
	_ =	sdelay $0x1  }
0xf1: {  	[tilespmem:s17+$0x20] =	vst v4  }
0xf2: {  	v4 =	vld [tilespmem:s20+$0xFFFFFF30]  }
0xf3: {  	v5 =	vld [tilespmem:s20+$0x30]  }
0xf4: {  	v6 =	vld [tilespmem:s20+$0x130];
	_ =	sdelay $0x2  }
0xf5: {  	v4 =	vmul.f32 v4, v2  }
0xf6: {  	v5 =	vmul.f32 v5, v1  }
0xf7: {  	v6 =	vmul.f32 v6, v3  }
0xf8: {  	v4 =	vadd.f32 v5, v4;
	_ =	sdelay $0x1  }
0xf9: {  	v4 =	vadd.f32 v6, v4;
	_ =	sdelay $0x1  }
0xfa: {  	[tilespmem:s17+$0x30] =	vst v4  }
0xfb: {  	v4 =	vld [tilespmem:s20+$0xFFFFFF40]  }
0xfc: {  	v5 =	vld [tilespmem:s20+$0x40]  }
0xfd: {  	v6 =	vld [tilespmem:s20+$0x140];
	_ =	sdelay $0x2  }
0xfe: {  	v4 =	vmul.f32 v4, v2  }
0xff: {  	v5 =	vmul.f32 v5, v1  }
0x100: {  	v6 =	vmul.f32 v6, v3  }
0x101: {  	v4 =	vadd.f32 v5, v4;
	_ =	sdelay $0x1  }
0x102: {  	v4 =	vadd.f32 v6, v4;
	_ =	sdelay $0x1  }
0x103: {  	[tilespmem:s17+$0x40] =	vst v4  }
0x104: {  	v4 =	vld [tilespmem:s20+$0x50]  }
0x105: {  	v5 =	vld [tilespmem:s20+$0xFFFFFF50]  }
0x106: {  	v6 =	vld [tilespmem:s20+$0x150];
	_ =	sdelay $0x2  }
0x107: {  	v4 =	vmul.f32 v4, v1  }
0x108: {  	v5 =	vmul.f32 v5, v2  }
0x109: {  	v6 =	vmul.f32 v6, v3  }
0x10a: {  	v4 =	vadd.f32 v4, v5;
	_ =	sdelay $0x1  }
.Ltmp0:
0x10b: {  	v4 =	vadd.f32 v6, v4;
	(pc) =	sbr.rel @p0 .LBB2_3-.Ltmp0, $4  }
0x10c: {  	_ = 	snop  }
0x10d: {  	[tilespmem:s17+$0x50] =	vst v4  }
0x10e: {  	v4 =	vld [tilespmem:s20+$0xFFFFFF60]  }
0x10f: {  	v5 =	vld [tilespmem:s20+$0x60]  }
0x110: {  	_ = 	snop  }
0x111: {  	v0 =	vld [tilespmem:s16+$0x160];
	_ =	sdelay $0x2  }
0x112: {  	v4 =	vmul.f32 v4, v2;
	v5 =	vmul.f32 v5, v1;
	_ =	sdelay $0x1  }
0x113: {  	v0 =	vmul.f32 v0, v3;
	v4 =	vadd.f32 v5, v4;
	_ =	sdelay $0x1  }
0x114: {  	v0 =	vadd.f32 v0, v4;
	_ =	sdelay $0x1  }
0x115: {  	[tilespmem:s18+$0x60] =	vst v0  }
0x116: {  	v0 =	vld [tilespmem:s16+$0xFFFFFF70]  }
0x117: {  	v60 =	vld [tilespmem:s16+$0x70];
	_ =	sdelay $0x1  }
0x118: {  	v61 =	vld [tilespmem:s16+$0x170];
	_ =	sdelay $0x2  }
0x119: {  	v0 =	vmul.f32 v0, v2;
	v62 =	vmul.f32 v60, v1;
	_ =	sdelay $0x1  }
0x11a: {  	v63 =	vmul.f32 v61, v3;
	v0 =	vadd.f32 v62, v0;
	_ =	sdelay $0x1  }
0x11b: {  	s31 =	sshll.u32 s15, $0x9;
	s15 =	sadd.s32 $0x1, s15;
	v0 =	vadd.f32 v63, v0  }
0x11c: {  	p0 =	sne.s32 s15, $0x20  }
.Ltmp1:
0x11d: {  	s16 =	sadd.s32 s31, s6;
	[tilespmem:s18+$0x70] =	vst v0;
	(pc) =	sbr.rel @p0 .LBB2_2-.Ltmp1, $4  }
0x11e: {  	[hbm4b:s16+s2] =	stream.linear.scatter [tilespmem:s12], [sflag:$0x2], $0x1000, $0x38;
	[tilespmem:$0xA600] =	vst v63  }
0x11f: {  	_ =	swait.ge [sflag:s8], $0x1000  }
0x120: {  	[sflag:s8] =	ssyncset.done $0x0  }
0x121: {  	s14 =	sadd.s32 $0x300, s14;
	[sflag:s8] =	ssyncadd.s32 $0xFFFFF000  }
0x122: {  	s13 =	sadd.s32 $0x1, s13  }
0x123: {  	p0 =	sne.s32 s13, s7  }
.Ltmp2:
0x124: {  	_ = 	snop;
	(pc) =	sbr.rel @p0 .LBB2_1-.Ltmp2, $1  }
0x125: {  	_ =	sdelay $0x3  }
0x126: {  	_ =	sfence.sel $0x180000  }
0x127: {  	[bflag:$0x0] =	sbarrier.arrive $0xFFFF  }
0x128: {  	p0 =	sne.s32 s0, $0x0;
	_ =	strace $0x90000047  }
0x129: {  	s0 =	sadd.s32 @!p0 $0x100000, s1;
	[bflag:$0x2] =	sbarrier.arrive $0xFFFF  }
0x12a: {  	[sflag:s0] =	ssyncadd.tile.s32 @!p0 $0x1;
	_ =	shalt  }
.Lfunc_end2:
_tile_overlayer_lowered:
.L_overlay_start_2:
0x12b: {  	(tag) =	ssettag $0x2  }
0x12c: {  	s0 =	rddreg [dreg:$0x0];
	s2 =	stileid.u32  }
0x12d: {  	s1 =	rddreg [dreg:$0x1];
	p0 =	sne.s32 s2, $0x0  }
0x12e: {  	s3 =	rddreg [dreg:$0x2];
	[bflag:$0x3] =	sbarrier.arrive $0xFFFF;
	s2 =	simm.s32 @!p0 $0x1C02  }
0x12f: {  	[timem:s3], [sflag:s2] =	dma.local @!p0 [hbm:s0], s1  }
0x130: {  	s0 =	simm.s32 @!p0 $0x2  }
0x131: {  	_ =	swait.ge @!p0 [sflag:s0], s1  }
0x132: {  	s1 =	ssub.s32 @!p0 $0x0, s1;
	[sflag:s0] =	ssyncset.done @!p0 $0x0  }
0x133: {  	[sflag:s0] =	ssyncadd.s32 @!p0 s1  }
0x134: {  	[bflag:$0x3] =	sbarrier.arrive $0xFFFF  }
0x135: {  	_ =	shalt  }

</sc_bundles>
